<compile_context>
chip_gen: v7x
topology: tpu7x:2x2x1
jax: 0.10.2.dev20260603
libtpu: 0.0.44.dev20260713+nightly
codegen_flags: <defaults>
</compile_context>

<pallas_src>
import jax
import jax.numpy as jnp
from jax import lax
from jax.experimental import pallas as pl
from jax.experimental.pallas import tpu as pltpu
from jax.experimental.pallas import tpu_sc as plsc

N_NODES = 10000
D = 128
NC, NS = 2, 16
NW = NC * NS
E = 320000
E_W = E // NW
CH = 128
NCHUNK = 80
E_W_PAD = NCHUNK * CH
N_ACC = 10240
ROWS_PER_TILE = N_ACC // NS
DEG_LANES = 128

_mesh = plsc.VectorSubcoreMesh(
    core_axis_name="c", subcore_axis_name="s", num_cores=NC, num_subcores=NS
)


def _deg_body(dst_hbm, ones_hbm, zero1_hbm, out_hbm, idx_v, ones_v, acc_sh):
    c = lax.axis_index("c")
    s = lax.axis_index("s")
    wid = c * NS + s
    pltpu.sync_copy(zero1_hbm, acc_sh.at[pl.ds(s * ROWS_PER_TILE, ROWS_PER_TILE)])
    pltpu.sync_copy(ones_hbm, ones_v)
    pltpu.sync_copy(dst_hbm.at[wid], idx_v)
    plsc.subcore_barrier()

    def body(j, carry):
        pltpu.sync_copy(ones_v, acc_sh.at[idx_v.at[j]], add=True)
        return carry

    lax.fori_loop(0, NCHUNK, body, 0)
    plsc.subcore_barrier()
    pltpu.sync_copy(
        acc_sh.at[pl.ds(s * ROWS_PER_TILE, ROWS_PER_TILE)],
        out_hbm.at[c, pl.ds(s * ROWS_PER_TILE, ROWS_PER_TILE), :],
    )


_deg_kernel = pl.kernel(
    _deg_body,
    out_type=jax.ShapeDtypeStruct((NC, N_ACC, DEG_LANES), jnp.float32),
    mesh=_mesh,
    scratch_types=[
        pltpu.VMEM((NCHUNK, CH), jnp.int32),
        pltpu.VMEM((CH, DEG_LANES), jnp.float32),
        pltpu.VMEM_SHARED((N_ACC, DEG_LANES), jnp.float32),
    ],
)


def _agg_body(g_hbm, src_hbm, dst_hbm, zero_hbm, out_hbm, idx_s_v, idx_d_v, rows_v, acc_sh):
    c = lax.axis_index("c")
    s = lax.axis_index("s")
    wid = c * NS + s
    pltpu.sync_copy(zero_hbm, acc_sh.at[pl.ds(s * ROWS_PER_TILE, ROWS_PER_TILE)])
    pltpu.sync_copy(src_hbm.at[wid], idx_s_v)
    pltpu.sync_copy(dst_hbm.at[wid], idx_d_v)
    plsc.subcore_barrier()

    def body(j, carry):
        pltpu.sync_copy(g_hbm.at[idx_s_v.at[j]], rows_v)
        pltpu.sync_copy(rows_v, acc_sh.at[idx_d_v.at[j]], add=True)
        return carry

    lax.fori_loop(0, NCHUNK, body, 0)
    plsc.subcore_barrier()
    pltpu.sync_copy(
        acc_sh.at[pl.ds(s * ROWS_PER_TILE, ROWS_PER_TILE)],
        out_hbm.at[c, pl.ds(s * ROWS_PER_TILE, ROWS_PER_TILE), :],
    )


_agg_kernel = pl.kernel(
    _agg_body,
    out_type=jax.ShapeDtypeStruct((NC, N_ACC, D), jnp.float32),
    mesh=_mesh,
    scratch_types=[
        pltpu.VMEM((NCHUNK, CH), jnp.int32),
        pltpu.VMEM((NCHUNK, CH), jnp.int32),
        pltpu.VMEM((CH, D), jnp.float32),
        pltpu.VMEM_SHARED((N_ACC, D), jnp.float32),
    ],
)


def _g1_body(x_ref, w_ref, degp_ref, g_ref, dinv_ref):
    deg = degp_ref[0, :N_NODES, 0:1] + degp_ref[1, :N_NODES, 0:1] + 1.0
    dinv = lax.rsqrt(deg)
    h = jnp.dot(x_ref[...], w_ref[...], preferred_element_type=jnp.float32)
    g_ref[...] = h * dinv
    dinv_ref[...] = dinv


_g1_kernel = pl.pallas_call(
    _g1_body,
    out_shape=(
        jax.ShapeDtypeStruct((N_NODES, D), jnp.float32),
        jax.ShapeDtypeStruct((N_NODES, 1), jnp.float32),
    ),
)


def _layer_body(aggp_ref, g_ref, dinv_ref, b_ref, w_ref, gout_ref):
    u = aggp_ref[0, :N_NODES, :] + aggp_ref[1, :N_NODES, :] + g_ref[...]
    z = jnp.maximum(u * dinv_ref[...] + b_ref[...], 0.0)
    h = jnp.dot(z, w_ref[...], preferred_element_type=jnp.float32)
    gout_ref[...] = h * dinv_ref[...]


_layer_kernel = pl.pallas_call(
    _layer_body,
    out_shape=jax.ShapeDtypeStruct((N_NODES, D), jnp.float32),
)


def _final_body(aggp_ref, g_ref, dinv_ref, b_ref, wfc_ref, bfc_ref, out_ref):
    u = aggp_ref[0, :N_NODES, :] + aggp_ref[1, :N_NODES, :] + g_ref[...]
    z = jnp.maximum(u * dinv_ref[...] + b_ref[...], 0.0)
    out_ref[...] = jnp.dot(z, wfc_ref[...], preferred_element_type=jnp.float32) + bfc_ref[...]


_final_kernel = pl.pallas_call(
    _final_body,
    out_shape=jax.ShapeDtypeStruct((N_NODES, 1), jnp.float32),
)


def kernel(x, edge_index, W1, b1, W2, b2, Wfc, bfc):
    src = edge_index[0].reshape(NW, E_W)
    dst = edge_index[1].reshape(NW, E_W)
    pad = E_W_PAD - E_W
    src_p = jnp.pad(src, ((0, 0), (0, pad))).reshape(NW, NCHUNK, CH)
    dst_p = jnp.pad(dst, ((0, 0), (0, pad)), constant_values=N_NODES).reshape(
        NW, NCHUNK, CH
    )
    zeros2d = jnp.zeros((ROWS_PER_TILE, D), jnp.float32)
    zeros_deg = jnp.zeros((ROWS_PER_TILE, DEG_LANES), jnp.float32)
    ones_deg = jnp.ones((CH, DEG_LANES), jnp.float32)

    degp = _deg_kernel(dst_p, ones_deg, zeros_deg)
    g1, dinv = _g1_kernel(x, W1, degp)
    agg1 = _agg_kernel(g1, src_p, dst_p, zeros2d)
    g2 = _layer_kernel(agg1, g1, dinv, b1.reshape(1, D), W2)
    agg2 = _agg_kernel(g2, src_p, dst_p, zeros2d)
    out = _final_kernel(
        agg2, g2, dinv, b2.reshape(1, D), Wfc, bfc.reshape(1, 1)
    )
    return out.reshape(-1)

# --- scband reference (transcript-rebuilt; emitter-appended) ---
"""Pipeline reference for scband-asteroid-risk-gnn-23931557773631 (READ-ONLY COPY).

The authoritative reference and input builder live on the scoring server;
editing this copy changes nothing except your own understanding.
"""

import jax, jax.numpy as jnp
import numpy as np

N_NODES = 10000
N_EDGES = 320000
D_IN = 128
D_HID = 128


def setup_inputs(seed: int = 0) -> dict:
    key = jax.random.key(seed)
    ks = jax.random.split(key, 8)
    x = jax.random.normal(ks[0], (N_NODES, D_IN), dtype=jnp.float32)
    edge_index = jax.random.randint(ks[1], (2, N_EDGES), 0, N_NODES, dtype=jnp.int32)
    W1 = jax.random.normal(ks[2], (D_IN, D_HID), dtype=jnp.float32) * (1.0 / np.sqrt(D_IN))
    b1 = jnp.zeros((D_HID,), dtype=jnp.float32)
    W2 = jax.random.normal(ks[3], (D_HID, D_HID), dtype=jnp.float32) * (1.0 / np.sqrt(D_HID))
    b2 = jnp.zeros((D_HID,), dtype=jnp.float32)
    Wfc = jax.random.normal(ks[4], (D_HID, 1), dtype=jnp.float32) * (1.0 / np.sqrt(D_HID))
    bfc = jnp.zeros((1,), dtype=jnp.float32)
    return {"x": x, "edge_index": edge_index, "W1": W1, "b1": b1, "W2": W2, "b2": b2, "Wfc": Wfc, "bfc": bfc}


def _gcn_conv(x, W, b, src, dst, n_nodes):
    # PyG GCNConv: add self-loops, symmetric normalization D^{-1/2}(A+I)D^{-1/2} X W + b
    deg = jnp.zeros((n_nodes,), dtype=jnp.float32).at[dst].add(1.0) + 1.0  # +1 for self loop
    dinv = jax.lax.rsqrt(deg)
    norm = dinv[src] * dinv[dst]
    h = x @ W
    out = jnp.zeros_like(h).at[dst].add(h[src] * norm[:, None])
    # self-loop contribution: norm = dinv[i]*dinv[i]
    out = out + h * (dinv * dinv)[:, None]
    return out + b


def reference(x, edge_index, W1, b1, W2, b2, Wfc, bfc):
    src = edge_index[0]
    dst = edge_index[1]
    n = x.shape[0]
    h = _gcn_conv(x, W1, b1, src, dst, n)
    h = jax.nn.relu(h)
    h = _gcn_conv(h, W2, b2, src, dst, n)
    h = jax.nn.relu(h)
    out = h @ Wfc + bfc
    return out.reshape(-1)

if __name__ == "__main__":
    import jax
    _d = setup_inputs()
    print(jax.jit(kernel)(*tuple(_d.values())))

</pallas_src>

<mosaic_0001>
#map = affine_map<(d0, d1) -> (0, 0, 0)>
#map1 = affine_map<(d0, d1) -> (0, 0)>
module attributes {stable_mosaic.version = 14 : i64} {
  func.func @_deg_body(%arg0: i32, %arg1: i32, %arg2: memref<32x80x128xi32, #tpu.memory_space<hbm>>, %arg3: memref<128x128xf32, #tpu.memory_space<hbm>>, %arg4: memref<640x128xf32, #tpu.memory_space<hbm>>, %arg5: memref<2x10240x128xf32, #tpu.memory_space<hbm>>, %arg6: memref<80x128xi32, #tpu.memory_space<vmem>>, %arg7: memref<128x128xf32, #tpu.memory_space<vmem>>, %arg8: memref<10240x128xf32, #tpu.memory_space<vmem_shared>>) attributes {dimension_semantics = [#tpu.dimension_semantics<core_parallel>, #tpu.dimension_semantics<subcore_parallel>], iteration_bounds = array<i64: 2, 16>, scalar_prefetch = 0 : i64, scratch_operands = 3 : i64, tpu.core_type = #tpu.core_type<sc_vector_subcore>, window_params = [{transform_indices = #map}, {transform_indices = #map1}, {transform_indices = #map1}, {transform_indices = #map}]} {
    %mul3A = arith.constant 16 : i32
    %mul3A_0 = arith.muli %arg0, %mul3A : i32
    %add3A = arith.addi %mul3A_0, %arg1 : i32
    %mul3A_1 = arith.constant 640 : i32
    %mul3A_2 = arith.muli %arg1, %mul3A_1 : i32
    "tpu.region"() ({
      %run_scoped3A = tpu.sem_alloc : memref<!tpu.dma_semaphore, #tpu.memory_space<semaphore_mem>>
      %dma_start3A = arith.constant 0 : i32
      %dma_start3A_13 = tpu.memref_slice %arg8[%mul3A_2, %dma_start3A] : memref<10240x128xf32, #tpu.memory_space<vmem_shared>> -> memref<640x128xf32, #tpu.memory_space<vmem_shared>>
      tpu.enqueue_dma source(%arg4 : memref<640x128xf32, #tpu.memory_space<hbm>>) target(%dma_start3A_13 : memref<640x128xf32, #tpu.memory_space<vmem_shared>>) target_semaphore(%run_scoped3A : memref<!tpu.dma_semaphore, #tpu.memory_space<semaphore_mem>>)
      %dma_wait3A = arith.constant 0 : i32
      %dma_wait3A_14 = tpu.memref_slice %arg8[%mul3A_2, %dma_wait3A] : memref<10240x128xf32, #tpu.memory_space<vmem_shared>> -> memref<640x128xf32, #tpu.memory_space<vmem_shared>>
      tpu.wait_dma2 semaphore(%run_scoped3A : memref<!tpu.dma_semaphore, #tpu.memory_space<semaphore_mem>>) src(%arg4 : memref<640x128xf32, #tpu.memory_space<hbm>>) dst(%dma_wait3A_14 : memref<640x128xf32, #tpu.memory_space<vmem_shared>>)
      tpu.yield
    }) : () -> ()
    "tpu.region"() ({
      %run_scoped3A = tpu.sem_alloc : memref<!tpu.dma_semaphore, #tpu.memory_space<semaphore_mem>>
      tpu.enqueue_dma source(%arg3 : memref<128x128xf32, #tpu.memory_space<hbm>>) target(%arg7 : memref<128x128xf32, #tpu.memory_space<vmem>>) target_semaphore(%run_scoped3A : memref<!tpu.dma_semaphore, #tpu.memory_space<semaphore_mem>>)
      tpu.wait_dma2 semaphore(%run_scoped3A : memref<!tpu.dma_semaphore, #tpu.memory_space<semaphore_mem>>) src(%arg3 : memref<128x128xf32, #tpu.memory_space<hbm>>) dst(%arg7 : memref<128x128xf32, #tpu.memory_space<vmem>>)
      tpu.yield
    }) : () -> ()
    "tpu.region"() ({
      %run_scoped3A = tpu.sem_alloc : memref<!tpu.dma_semaphore, #tpu.memory_space<semaphore_mem>>
      %dma_start3A = arith.constant 0 : i32
      %dma_start3A_13 = arith.constant 0 : i32
      %dma_start3A_14 = tpu.memref_slice %arg2[%add3A, %dma_start3A, %dma_start3A_13] : memref<32x80x128xi32, #tpu.memory_space<hbm>> -> memref<1x80x128xi32, #tpu.memory_space<hbm>>
      %dma_start3A_15 = tpu.memref_squeeze %dma_start3A_14 : memref<1x80x128xi32, #tpu.memory_space<hbm>> -> memref<80x128xi32, #tpu.memory_space<hbm>>
      %dma_start3A_16 = arith.constant 0 : i32
      %dma_start3A_17 = arith.constant 0 : i32
      %dma_start3A_18 = tpu.memref_slice %arg2[%add3A, %dma_start3A_16, %dma_start3A_17] : memref<32x80x128xi32, #tpu.memory_space<hbm>> -> memref<1x80x128xi32, #tpu.memory_space<hbm>>
      %dma_start3A_19 = tpu.memref_squeeze %dma_start3A_18 : memref<1x80x128xi32, #tpu.memory_space<hbm>> -> memref<80x128xi32, #tpu.memory_space<hbm>>
      tpu.enqueue_dma source(%dma_start3A_19 : memref<80x128xi32, #tpu.memory_space<hbm>>) target(%arg6 : memref<80x128xi32, #tpu.memory_space<vmem>>) target_semaphore(%run_scoped3A : memref<!tpu.dma_semaphore, #tpu.memory_space<semaphore_mem>>)
      %dma_wait3A = arith.constant 0 : i32
      %dma_wait3A_20 = arith.constant 0 : i32
      %dma_wait3A_21 = tpu.memref_slice %arg2[%add3A, %dma_wait3A, %dma_wait3A_20] : memref<32x80x128xi32, #tpu.memory_space<hbm>> -> memref<1x80x128xi32, #tpu.memory_space<hbm>>
      %dma_wait3A_22 = tpu.memref_squeeze %dma_wait3A_21 : memref<1x80x128xi32, #tpu.memory_space<hbm>> -> memref<80x128xi32, #tpu.memory_space<hbm>>
      %dma_wait3A_23 = arith.constant 0 : i32
      %dma_wait3A_24 = arith.constant 0 : i32
      %dma_wait3A_25 = tpu.memref_slice %arg2[%add3A, %dma_wait3A_23, %dma_wait3A_24] : memref<32x80x128xi32, #tpu.memory_space<hbm>> -> memref<1x80x128xi32, #tpu.memory_space<hbm>>
      %dma_wait3A_26 = tpu.memref_squeeze %dma_wait3A_25 : memref<1x80x128xi32, #tpu.memory_space<hbm>> -> memref<80x128xi32, #tpu.memory_space<hbm>>
      tpu.wait_dma2 semaphore(%run_scoped3A : memref<!tpu.dma_semaphore, #tpu.memory_space<semaphore_mem>>) src(%dma_wait3A_26 : memref<80x128xi32, #tpu.memory_space<hbm>>) dst(%arg6 : memref<80x128xi32, #tpu.memory_space<vmem>>)
      tpu.yield
    }) : () -> ()
    %barrier3A = arith.constant 0 : index
    tpu.barrier barrier_id(%barrier3A)
    %scan3A = arith.constant 0 : i32
    %scan3A_3 = arith.constant 0 : i32
    %scan3A_4 = arith.constant 80 : i32
    %scan3A_5 = arith.addi %scan3A_3, %scan3A_4 : i32
    %scan3A_6 = arith.constant 1 : i32
    scf.for %scan3A_13 = %scan3A_3 to %scan3A_5 step %scan3A_6  : i32 {
      "tpu.region"() ({
        %run_scoped3A = tpu.sem_alloc : memref<!tpu.dma_semaphore, #tpu.memory_space<semaphore_mem>>
        %dma_start3A = arith.constant 0 : i32
        %dma_start3A_14 = tpu.memref_slice %arg6[%scan3A_13, %dma_start3A] : memref<80x128xi32, #tpu.memory_space<vmem>> -> memref<1x128xi32, #tpu.memory_space<vmem>>
        %dma_start3A_15 = tpu.memref_squeeze %dma_start3A_14 : memref<1x128xi32, #tpu.memory_space<vmem>> -> memref<128xi32, #tpu.memory_space<vmem>>
        %dma_start3A_16 = arith.constant 0 : i32
        %dma_start3A_17 = arith.constant 0 : i32
        %dma_start3A_18 = tpu.memref_slice %arg8[%dma_start3A_16, %dma_start3A_17] : memref<10240x128xf32, #tpu.memory_space<vmem_shared>> -> memref<10240x128xf32, #tpu.memory_space<vmem_shared>>
        tpu.enqueue_indirect_dma source(%arg7 : memref<128x128xf32, #tpu.memory_space<vmem>>) target(%dma_start3A_18 : memref<10240x128xf32, #tpu.memory_space<vmem_shared>>) offsets(%dma_start3A_15 : memref<128xi32, #tpu.memory_space<vmem>>) semaphore(%run_scoped3A : memref<!tpu.dma_semaphore, #tpu.memory_space<semaphore_mem>>) {add = true}
        %dma_wait3A = arith.constant 0 : i32
        %dma_wait3A_19 = tpu.memref_slice %arg6[%scan3A_13, %dma_wait3A] : memref<80x128xi32, #tpu.memory_space<vmem>> -> memref<1x128xi32, #tpu.memory_space<vmem>>
        %dma_wait3A_20 = tpu.memref_squeeze %dma_wait3A_19 : memref<1x128xi32, #tpu.memory_space<vmem>> -> memref<128xi32, #tpu.memory_space<vmem>>
        %dma_wait3A_21 = arith.constant 0 : i32
        %dma_wait3A_22 = arith.constant 0 : i32
        %dma_wait3A_23 = tpu.memref_slice %arg8[%dma_wait3A_21, %dma_wait3A_22] : memref<10240x128xf32, #tpu.memory_space<vmem_shared>> -> memref<10240x128xf32, #tpu.memory_space<vmem_shared>>
        tpu.wait_indirect_dma semaphore(%run_scoped3A : memref<!tpu.dma_semaphore, #tpu.memory_space<semaphore_mem>>) src(%arg7 : memref<128x128xf32, #tpu.memory_space<vmem>>) dst(%dma_wait3A_23 : memref<10240x128xf32, #tpu.memory_space<vmem_shared>>)
        tpu.yield
      }) : () -> ()
    }
    %scan3A_7 = arith.constant 80 : i32
    %barrier3A_8 = arith.constant 0 : index
    tpu.barrier barrier_id(%barrier3A_8)
    %mul3A_9 = arith.constant 640 : i32
    %mul3A_10 = arith.muli %arg1, %mul3A_9 : i32
    %mul3A_11 = arith.constant 640 : i32
    %mul3A_12 = arith.muli %arg1, %mul3A_11 : i32
    "tpu.region"() ({
      %run_scoped3A = tpu.sem_alloc : memref<!tpu.dma_semaphore, #tpu.memory_space<semaphore_mem>>
      %dma_start3A = arith.constant 0 : i32
      %dma_start3A_13 = tpu.memref_slice %arg5[%arg0, %mul3A_12, %dma_start3A] : memref<2x10240x128xf32, #tpu.memory_space<hbm>> -> memref<1x640x128xf32, #tpu.memory_space<hbm>>
      %dma_start3A_14 = tpu.memref_squeeze %dma_start3A_13 : memref<1x640x128xf32, #tpu.memory_space<hbm>> -> memref<640x128xf32, #tpu.memory_space<hbm>>
      %dma_start3A_15 = arith.constant 0 : i32
      %dma_start3A_16 = tpu.memref_slice %arg8[%mul3A_10, %dma_start3A_15] : memref<10240x128xf32, #tpu.memory_space<vmem_shared>> -> memref<640x128xf32, #tpu.memory_space<vmem_shared>>
      tpu.enqueue_dma source(%dma_start3A_16 : memref<640x128xf32, #tpu.memory_space<vmem_shared>>) target(%dma_start3A_14 : memref<640x128xf32, #tpu.memory_space<hbm>>) target_semaphore(%run_scoped3A : memref<!tpu.dma_semaphore, #tpu.memory_space<semaphore_mem>>)
      %dma_wait3A = arith.constant 0 : i32
      %dma_wait3A_17 = tpu.memref_slice %arg5[%arg0, %mul3A_12, %dma_wait3A] : memref<2x10240x128xf32, #tpu.memory_space<hbm>> -> memref<1x640x128xf32, #tpu.memory_space<hbm>>
      %dma_wait3A_18 = tpu.memref_squeeze %dma_wait3A_17 : memref<1x640x128xf32, #tpu.memory_space<hbm>> -> memref<640x128xf32, #tpu.memory_space<hbm>>
      %dma_wait3A_19 = arith.constant 0 : i32
      %dma_wait3A_20 = tpu.memref_slice %arg8[%mul3A_10, %dma_wait3A_19] : memref<10240x128xf32, #tpu.memory_space<vmem_shared>> -> memref<640x128xf32, #tpu.memory_space<vmem_shared>>
      tpu.wait_dma2 semaphore(%run_scoped3A : memref<!tpu.dma_semaphore, #tpu.memory_space<semaphore_mem>>) src(%dma_wait3A_20 : memref<640x128xf32, #tpu.memory_space<vmem_shared>>) dst(%dma_wait3A_18 : memref<640x128xf32, #tpu.memory_space<hbm>>)
      tpu.yield
    }) : () -> ()
    return
  }
}

#map = affine_map<(d0, d1) -> (0, 0)>
#map1 = affine_map<(d0, d1) -> (0, 0, 0)>
module attributes {stable_mosaic.version = 14 : i64} {
  func.func @_agg_body(%arg0: i32, %arg1: i32, %arg2: memref<10000x128xf32, #tpu.memory_space<hbm>>, %arg3: memref<32x80x128xi32, #tpu.memory_space<hbm>>, %arg4: memref<32x80x128xi32, #tpu.memory_space<hbm>>, %arg5: memref<640x128xf32, #tpu.memory_space<hbm>>, %arg6: memref<2x10240x128xf32, #tpu.memory_space<hbm>>, %arg7: memref<80x128xi32, #tpu.memory_space<vmem>>, %arg8: memref<80x128xi32, #tpu.memory_space<vmem>>, %arg9: memref<128x128xf32, #tpu.memory_space<vmem>>, %arg10: memref<10240x128xf32, #tpu.memory_space<vmem_shared>>) attributes {dimension_semantics = [#tpu.dimension_semantics<core_parallel>, #tpu.dimension_semantics<subcore_parallel>], iteration_bounds = array<i64: 2, 16>, scalar_prefetch = 0 : i64, scratch_operands = 4 : i64, tpu.core_type = #tpu.core_type<sc_vector_subcore>, window_params = [{transform_indices = #map}, {transform_indices = #map1}, {transform_indices = #map1}, {transform_indices = #map}, {transform_indices = #map1}]} {
    %mul3A = arith.constant 16 : i32
    %mul3A_0 = arith.muli %arg0, %mul3A : i32
    %add3A = arith.addi %mul3A_0, %arg1 : i32
    %mul3A_1 = arith.constant 640 : i32
    %mul3A_2 = arith.muli %arg1, %mul3A_1 : i32
    "tpu.region"() ({
      %run_scoped3A = tpu.sem_alloc : memref<!tpu.dma_semaphore, #tpu.memory_space<semaphore_mem>>
      %dma_start3A = arith.constant 0 : i32
      %dma_start3A_13 = tpu.memref_slice %arg10[%mul3A_2, %dma_start3A] : memref<10240x128xf32, #tpu.memory_space<vmem_shared>> -> memref<640x128xf32, #tpu.memory_space<vmem_shared>>
      tpu.enqueue_dma source(%arg5 : memref<640x128xf32, #tpu.memory_space<hbm>>) target(%dma_start3A_13 : memref<640x128xf32, #tpu.memory_space<vmem_shared>>) target_semaphore(%run_scoped3A : memref<!tpu.dma_semaphore, #tpu.memory_space<semaphore_mem>>)
      %dma_wait3A = arith.constant 0 : i32
      %dma_wait3A_14 = tpu.memref_slice %arg10[%mul3A_2, %dma_wait3A] : memref<10240x128xf32, #tpu.memory_space<vmem_shared>> -> memref<640x128xf32, #tpu.memory_space<vmem_shared>>
      tpu.wait_dma2 semaphore(%run_scoped3A : memref<!tpu.dma_semaphore, #tpu.memory_space<semaphore_mem>>) src(%arg5 : memref<640x128xf32, #tpu.memory_space<hbm>>) dst(%dma_wait3A_14 : memref<640x128xf32, #tpu.memory_space<vmem_shared>>)
      tpu.yield
    }) : () -> ()
    "tpu.region"() ({
      %run_scoped3A = tpu.sem_alloc : memref<!tpu.dma_semaphore, #tpu.memory_space<semaphore_mem>>
      %dma_start3A = arith.constant 0 : i32
      %dma_start3A_13 = arith.constant 0 : i32
      %dma_start3A_14 = tpu.memref_slice %arg3[%add3A, %dma_start3A, %dma_start3A_13] : memref<32x80x128xi32, #tpu.memory_space<hbm>> -> memref<1x80x128xi32, #tpu.memory_space<hbm>>
      %dma_start3A_15 = tpu.memref_squeeze %dma_start3A_14 : memref<1x80x128xi32, #tpu.memory_space<hbm>> -> memref<80x128xi32, #tpu.memory_space<hbm>>
      %dma_start3A_16 = arith.constant 0 : i32
      %dma_start3A_17 = arith.constant 0 : i32
      %dma_start3A_18 = tpu.memref_slice %arg3[%add3A, %dma_start3A_16, %dma_start3A_17] : memref<32x80x128xi32, #tpu.memory_space<hbm>> -> memref<1x80x128xi32, #tpu.memory_space<hbm>>
      %dma_start3A_19 = tpu.memref_squeeze %dma_start3A_18 : memref<1x80x128xi32, #tpu.memory_space<hbm>> -> memref<80x128xi32, #tpu.memory_space<hbm>>
      tpu.enqueue_dma source(%dma_start3A_19 : memref<80x128xi32, #tpu.memory_space<hbm>>) target(%arg7 : memref<80x128xi32, #tpu.memory_space<vmem>>) target_semaphore(%run_scoped3A : memref<!tpu.dma_semaphore, #tpu.memory_space<semaphore_mem>>)
      %dma_wait3A = arith.constant 0 : i32
      %dma_wait3A_20 = arith.constant 0 : i32
      %dma_wait3A_21 = tpu.memref_slice %arg3[%add3A, %dma_wait3A, %dma_wait3A_20] : memref<32x80x128xi32, #tpu.memory_space<hbm>> -> memref<1x80x128xi32, #tpu.memory_space<hbm>>
      %dma_wait3A_22 = tpu.memref_squeeze %dma_wait3A_21 : memref<1x80x128xi32, #tpu.memory_space<hbm>> -> memref<80x128xi32, #tpu.memory_space<hbm>>
      %dma_wait3A_23 = arith.constant 0 : i32
      %dma_wait3A_24 = arith.constant 0 : i32
      %dma_wait3A_25 = tpu.memref_slice %arg3[%add3A, %dma_wait3A_23, %dma_wait3A_24] : memref<32x80x128xi32, #tpu.memory_space<hbm>> -> memref<1x80x128xi32, #tpu.memory_space<hbm>>
      %dma_wait3A_26 = tpu.memref_squeeze %dma_wait3A_25 : memref<1x80x128xi32, #tpu.memory_space<hbm>> -> memref<80x128xi32, #tpu.memory_space<hbm>>
      tpu.wait_dma2 semaphore(%run_scoped3A : memref<!tpu.dma_semaphore, #tpu.memory_space<semaphore_mem>>) src(%dma_wait3A_26 : memref<80x128xi32, #tpu.memory_space<hbm>>) dst(%arg7 : memref<80x128xi32, #tpu.memory_space<vmem>>)
      tpu.yield
    }) : () -> ()
    "tpu.region"() ({
      %run_scoped3A = tpu.sem_alloc : memref<!tpu.dma_semaphore, #tpu.memory_space<semaphore_mem>>
      %dma_start3A = arith.constant 0 : i32
      %dma_start3A_13 = arith.constant 0 : i32
      %dma_start3A_14 = tpu.memref_slice %arg4[%add3A, %dma_start3A, %dma_start3A_13] : memref<32x80x128xi32, #tpu.memory_space<hbm>> -> memref<1x80x128xi32, #tpu.memory_space<hbm>>
      %dma_start3A_15 = tpu.memref_squeeze %dma_start3A_14 : memref<1x80x128xi32, #tpu.memory_space<hbm>> -> memref<80x128xi32, #tpu.memory_space<hbm>>
      %dma_start3A_16 = arith.constant 0 : i32
      %dma_start3A_17 = arith.constant 0 : i32
      %dma_start3A_18 = tpu.memref_slice %arg4[%add3A, %dma_start3A_16, %dma_start3A_17] : memref<32x80x128xi32, #tpu.memory_space<hbm>> -> memref<1x80x128xi32, #tpu.memory_space<hbm>>
      %dma_start3A_19 = tpu.memref_squeeze %dma_start3A_18 : memref<1x80x128xi32, #tpu.memory_space<hbm>> -> memref<80x128xi32, #tpu.memory_space<hbm>>
      tpu.enqueue_dma source(%dma_start3A_19 : memref<80x128xi32, #tpu.memory_space<hbm>>) target(%arg8 : memref<80x128xi32, #tpu.memory_space<vmem>>) target_semaphore(%run_scoped3A : memref<!tpu.dma_semaphore, #tpu.memory_space<semaphore_mem>>)
      %dma_wait3A = arith.constant 0 : i32
      %dma_wait3A_20 = arith.constant 0 : i32
      %dma_wait3A_21 = tpu.memref_slice %arg4[%add3A, %dma_wait3A, %dma_wait3A_20] : memref<32x80x128xi32, #tpu.memory_space<hbm>> -> memref<1x80x128xi32, #tpu.memory_space<hbm>>
      %dma_wait3A_22 = tpu.memref_squeeze %dma_wait3A_21 : memref<1x80x128xi32, #tpu.memory_space<hbm>> -> memref<80x128xi32, #tpu.memory_space<hbm>>
      %dma_wait3A_23 = arith.constant 0 : i32
      %dma_wait3A_24 = arith.constant 0 : i32
      %dma_wait3A_25 = tpu.memref_slice %arg4[%add3A, %dma_wait3A_23, %dma_wait3A_24] : memref<32x80x128xi32, #tpu.memory_space<hbm>> -> memref<1x80x128xi32, #tpu.memory_space<hbm>>
      %dma_wait3A_26 = tpu.memref_squeeze %dma_wait3A_25 : memref<1x80x128xi32, #tpu.memory_space<hbm>> -> memref<80x128xi32, #tpu.memory_space<hbm>>
      tpu.wait_dma2 semaphore(%run_scoped3A : memref<!tpu.dma_semaphore, #tpu.memory_space<semaphore_mem>>) src(%dma_wait3A_26 : memref<80x128xi32, #tpu.memory_space<hbm>>) dst(%arg8 : memref<80x128xi32, #tpu.memory_space<vmem>>)
      tpu.yield
    }) : () -> ()
    %barrier3A = arith.constant 0 : index
    tpu.barrier barrier_id(%barrier3A)
    %scan3A = arith.constant 0 : i32
    %scan3A_3 = arith.constant 0 : i32
    %scan3A_4 = arith.constant 80 : i32
    %scan3A_5 = arith.addi %scan3A_3, %scan3A_4 : i32
    %scan3A_6 = arith.constant 1 : i32
    scf.for %scan3A_13 = %scan3A_3 to %scan3A_5 step %scan3A_6  : i32 {
      "tpu.region"() ({
        %run_scoped3A = tpu.sem_alloc : memref<!tpu.dma_semaphore, #tpu.memory_space<semaphore_mem>>
        %dma_start3A = arith.constant 0 : i32
        %dma_start3A_14 = tpu.memref_slice %arg7[%scan3A_13, %dma_start3A] : memref<80x128xi32, #tpu.memory_space<vmem>> -> memref<1x128xi32, #tpu.memory_space<vmem>>
        %dma_start3A_15 = tpu.memref_squeeze %dma_start3A_14 : memref<1x128xi32, #tpu.memory_space<vmem>> -> memref<128xi32, #tpu.memory_space<vmem>>
        %dma_start3A_16 = arith.constant 0 : i32
        %dma_start3A_17 = arith.constant 0 : i32
        %dma_start3A_18 = tpu.memref_slice %arg2[%dma_start3A_16, %dma_start3A_17] : memref<10000x128xf32, #tpu.memory_space<hbm>> -> memref<10000x128xf32, #tpu.memory_space<hbm>>
        tpu.enqueue_indirect_dma source(%dma_start3A_18 : memref<10000x128xf32, #tpu.memory_space<hbm>>) target(%arg9 : memref<128x128xf32, #tpu.memory_space<vmem>>) offsets(%dma_start3A_15 : memref<128xi32, #tpu.memory_space<vmem>>) semaphore(%run_scoped3A : memref<!tpu.dma_semaphore, #tpu.memory_space<semaphore_mem>>)
        %dma_wait3A = arith.constant 0 : i32
        %dma_wait3A_19 = tpu.memref_slice %arg7[%scan3A_13, %dma_wait3A] : memref<80x128xi32, #tpu.memory_space<vmem>> -> memref<1x128xi32, #tpu.memory_space<vmem>>
        %dma_wait3A_20 = tpu.memref_squeeze %dma_wait3A_19 : memref<1x128xi32, #tpu.memory_space<vmem>> -> memref<128xi32, #tpu.memory_space<vmem>>
        %dma_wait3A_21 = arith.constant 0 : i32
        %dma_wait3A_22 = arith.constant 0 : i32
        %dma_wait3A_23 = tpu.memref_slice %arg2[%dma_wait3A_21, %dma_wait3A_22] : memref<10000x128xf32, #tpu.memory_space<hbm>> -> memref<10000x128xf32, #tpu.memory_space<hbm>>
        tpu.wait_indirect_dma semaphore(%run_scoped3A : memref<!tpu.dma_semaphore, #tpu.memory_space<semaphore_mem>>) src(%dma_wait3A_23 : memref<10000x128xf32, #tpu.memory_space<hbm>>) dst(%arg9 : memref<128x128xf32, #tpu.memory_space<vmem>>)
        tpu.yield
      }) : () -> ()
      "tpu.region"() ({
        %run_scoped3A = tpu.sem_alloc : memref<!tpu.dma_semaphore, #tpu.memory_space<semaphore_mem>>
        %dma_start3A = arith.constant 0 : i32
        %dma_start3A_14 = tpu.memref_slice %arg8[%scan3A_13, %dma_start3A] : memref<80x128xi32, #tpu.memory_space<vmem>> -> memref<1x128xi32, #tpu.memory_space<vmem>>
        %dma_start3A_15 = tpu.memref_squeeze %dma_start3A_14 : memref<1x128xi32, #tpu.memory_space<vmem>> -> memref<128xi32, #tpu.memory_space<vmem>>
        %dma_start3A_16 = arith.constant 0 : i32
        %dma_start3A_17 = arith.constant 0 : i32
        %dma_start3A_18 = tpu.memref_slice %arg10[%dma_start3A_16, %dma_start3A_17] : memref<10240x128xf32, #tpu.memory_space<vmem_shared>> -> memref<10240x128xf32, #tpu.memory_space<vmem_shared>>
        tpu.enqueue_indirect_dma source(%arg9 : memref<128x128xf32, #tpu.memory_space<vmem>>) target(%dma_start3A_18 : memref<10240x128xf32, #tpu.memory_space<vmem_shared>>) offsets(%dma_start3A_15 : memref<128xi32, #tpu.memory_space<vmem>>) semaphore(%run_scoped3A : memref<!tpu.dma_semaphore, #tpu.memory_space<semaphore_mem>>) {add = true}
        %dma_wait3A = arith.constant 0 : i32
        %dma_wait3A_19 = tpu.memref_slice %arg8[%scan3A_13, %dma_wait3A] : memref<80x128xi32, #tpu.memory_space<vmem>> -> memref<1x128xi32, #tpu.memory_space<vmem>>
        %dma_wait3A_20 = tpu.memref_squeeze %dma_wait3A_19 : memref<1x128xi32, #tpu.memory_space<vmem>> -> memref<128xi32, #tpu.memory_space<vmem>>
        %dma_wait3A_21 = arith.constant 0 : i32
        %dma_wait3A_22 = arith.constant 0 : i32
        %dma_wait3A_23 = tpu.memref_slice %arg10[%dma_wait3A_21, %dma_wait3A_22] : memref<10240x128xf32, #tpu.memory_space<vmem_shared>> -> memref<10240x128xf32, #tpu.memory_space<vmem_shared>>
        tpu.wait_indirect_dma semaphore(%run_scoped3A : memref<!tpu.dma_semaphore, #tpu.memory_space<semaphore_mem>>) src(%arg9 : memref<128x128xf32, #tpu.memory_space<vmem>>) dst(%dma_wait3A_23 : memref<10240x128xf32, #tpu.memory_space<vmem_shared>>)
        tpu.yield
      }) : () -> ()
    }
    %scan3A_7 = arith.constant 80 : i32
    %barrier3A_8 = arith.constant 0 : index
    tpu.barrier barrier_id(%barrier3A_8)
    %mul3A_9 = arith.constant 640 : i32
    %mul3A_10 = arith.muli %arg1, %mul3A_9 : i32
    %mul3A_11 = arith.constant 640 : i32
    %mul3A_12 = arith.muli %arg1, %mul3A_11 : i32
    "tpu.region"() ({
      %run_scoped3A = tpu.sem_alloc : memref<!tpu.dma_semaphore, #tpu.memory_space<semaphore_mem>>
      %dma_start3A = arith.constant 0 : i32
      %dma_start3A_13 = tpu.memref_slice %arg6[%arg0, %mul3A_12, %dma_start3A] : memref<2x10240x128xf32, #tpu.memory_space<hbm>> -> memref<1x640x128xf32, #tpu.memory_space<hbm>>
      %dma_start3A_14 = tpu.memref_squeeze %dma_start3A_13 : memref<1x640x128xf32, #tpu.memory_space<hbm>> -> memref<640x128xf32, #tpu.memory_space<hbm>>
      %dma_start3A_15 = arith.constant 0 : i32
      %dma_start3A_16 = tpu.memref_slice %arg10[%mul3A_10, %dma_start3A_15] : memref<10240x128xf32, #tpu.memory_space<vmem_shared>> -> memref<640x128xf32, #tpu.memory_space<vmem_shared>>
      tpu.enqueue_dma source(%dma_start3A_16 : memref<640x128xf32, #tpu.memory_space<vmem_shared>>) target(%dma_start3A_14 : memref<640x128xf32, #tpu.memory_space<hbm>>) target_semaphore(%run_scoped3A : memref<!tpu.dma_semaphore, #tpu.memory_space<semaphore_mem>>)
      %dma_wait3A = arith.constant 0 : i32
      %dma_wait3A_17 = tpu.memref_slice %arg6[%arg0, %mul3A_12, %dma_wait3A] : memref<2x10240x128xf32, #tpu.memory_space<hbm>> -> memref<1x640x128xf32, #tpu.memory_space<hbm>>
      %dma_wait3A_18 = tpu.memref_squeeze %dma_wait3A_17 : memref<1x640x128xf32, #tpu.memory_space<hbm>> -> memref<640x128xf32, #tpu.memory_space<hbm>>
      %dma_wait3A_19 = arith.constant 0 : i32
      %dma_wait3A_20 = tpu.memref_slice %arg10[%mul3A_10, %dma_wait3A_19] : memref<10240x128xf32, #tpu.memory_space<vmem_shared>> -> memref<640x128xf32, #tpu.memory_space<vmem_shared>>
      tpu.wait_dma2 semaphore(%run_scoped3A : memref<!tpu.dma_semaphore, #tpu.memory_space<semaphore_mem>>) src(%dma_wait3A_20 : memref<640x128xf32, #tpu.memory_space<vmem_shared>>) dst(%dma_wait3A_18 : memref<640x128xf32, #tpu.memory_space<hbm>>)
      tpu.yield
    }) : () -> ()
    return
  }
}

#map = affine_map<(d0, d1) -> (0, 0)>
#map1 = affine_map<(d0, d1) -> (0, 0, 0)>
module attributes {stable_mosaic.version = 14 : i64} {
  func.func @_agg_body(%arg0: i32, %arg1: i32, %arg2: memref<10000x128xf32, #tpu.memory_space<hbm>>, %arg3: memref<32x80x128xi32, #tpu.memory_space<hbm>>, %arg4: memref<32x80x128xi32, #tpu.memory_space<hbm>>, %arg5: memref<640x128xf32, #tpu.memory_space<hbm>>, %arg6: memref<2x10240x128xf32, #tpu.memory_space<hbm>>, %arg7: memref<80x128xi32, #tpu.memory_space<vmem>>, %arg8: memref<80x128xi32, #tpu.memory_space<vmem>>, %arg9: memref<128x128xf32, #tpu.memory_space<vmem>>, %arg10: memref<10240x128xf32, #tpu.memory_space<vmem_shared>>) attributes {dimension_semantics = [#tpu.dimension_semantics<core_parallel>, #tpu.dimension_semantics<subcore_parallel>], iteration_bounds = array<i64: 2, 16>, scalar_prefetch = 0 : i64, scratch_operands = 4 : i64, tpu.core_type = #tpu.core_type<sc_vector_subcore>, window_params = [{transform_indices = #map}, {transform_indices = #map1}, {transform_indices = #map1}, {transform_indices = #map}, {transform_indices = #map1}]} {
    %mul3A = arith.constant 16 : i32
    %mul3A_0 = arith.muli %arg0, %mul3A : i32
    %add3A = arith.addi %mul3A_0, %arg1 : i32
    %mul3A_1 = arith.constant 640 : i32
    %mul3A_2 = arith.muli %arg1, %mul3A_1 : i32
    "tpu.region"() ({
      %run_scoped3A = tpu.sem_alloc : memref<!tpu.dma_semaphore, #tpu.memory_space<semaphore_mem>>
      %dma_start3A = arith.constant 0 : i32
      %dma_start3A_13 = tpu.memref_slice %arg10[%mul3A_2, %dma_start3A] : memref<10240x128xf32, #tpu.memory_space<vmem_shared>> -> memref<640x128xf32, #tpu.memory_space<vmem_shared>>
      tpu.enqueue_dma source(%arg5 : memref<640x128xf32, #tpu.memory_space<hbm>>) target(%dma_start3A_13 : memref<640x128xf32, #tpu.memory_space<vmem_shared>>) target_semaphore(%run_scoped3A : memref<!tpu.dma_semaphore, #tpu.memory_space<semaphore_mem>>)
      %dma_wait3A = arith.constant 0 : i32
      %dma_wait3A_14 = tpu.memref_slice %arg10[%mul3A_2, %dma_wait3A] : memref<10240x128xf32, #tpu.memory_space<vmem_shared>> -> memref<640x128xf32, #tpu.memory_space<vmem_shared>>
      tpu.wait_dma2 semaphore(%run_scoped3A : memref<!tpu.dma_semaphore, #tpu.memory_space<semaphore_mem>>) src(%arg5 : memref<640x128xf32, #tpu.memory_space<hbm>>) dst(%dma_wait3A_14 : memref<640x128xf32, #tpu.memory_space<vmem_shared>>)
      tpu.yield
    }) : () -> ()
    "tpu.region"() ({
      %run_scoped3A = tpu.sem_alloc : memref<!tpu.dma_semaphore, #tpu.memory_space<semaphore_mem>>
      %dma_start3A = arith.constant 0 : i32
      %dma_start3A_13 = arith.constant 0 : i32
      %dma_start3A_14 = tpu.memref_slice %arg3[%add3A, %dma_start3A, %dma_start3A_13] : memref<32x80x128xi32, #tpu.memory_space<hbm>> -> memref<1x80x128xi32, #tpu.memory_space<hbm>>
      %dma_start3A_15 = tpu.memref_squeeze %dma_start3A_14 : memref<1x80x128xi32, #tpu.memory_space<hbm>> -> memref<80x128xi32, #tpu.memory_space<hbm>>
      %dma_start3A_16 = arith.constant 0 : i32
      %dma_start3A_17 = arith.constant 0 : i32
      %dma_start3A_18 = tpu.memref_slice %arg3[%add3A, %dma_start3A_16, %dma_start3A_17] : memref<32x80x128xi32, #tpu.memory_space<hbm>> -> memref<1x80x128xi32, #tpu.memory_space<hbm>>
      %dma_start3A_19 = tpu.memref_squeeze %dma_start3A_18 : memref<1x80x128xi32, #tpu.memory_space<hbm>> -> memref<80x128xi32, #tpu.memory_space<hbm>>
      tpu.enqueue_dma source(%dma_start3A_19 : memref<80x128xi32, #tpu.memory_space<hbm>>) target(%arg7 : memref<80x128xi32, #tpu.memory_space<vmem>>) target_semaphore(%run_scoped3A : memref<!tpu.dma_semaphore, #tpu.memory_space<semaphore_mem>>)
      %dma_wait3A = arith.constant 0 : i32
      %dma_wait3A_20 = arith.constant 0 : i32
      %dma_wait3A_21 = tpu.memref_slice %arg3[%add3A, %dma_wait3A, %dma_wait3A_20] : memref<32x80x128xi32, #tpu.memory_space<hbm>> -> memref<1x80x128xi32, #tpu.memory_space<hbm>>
      %dma_wait3A_22 = tpu.memref_squeeze %dma_wait3A_21 : memref<1x80x128xi32, #tpu.memory_space<hbm>> -> memref<80x128xi32, #tpu.memory_space<hbm>>
      %dma_wait3A_23 = arith.constant 0 : i32
      %dma_wait3A_24 = arith.constant 0 : i32
      %dma_wait3A_25 = tpu.memref_slice %arg3[%add3A, %dma_wait3A_23, %dma_wait3A_24] : memref<32x80x128xi32, #tpu.memory_space<hbm>> -> memref<1x80x128xi32, #tpu.memory_space<hbm>>
      %dma_wait3A_26 = tpu.memref_squeeze %dma_wait3A_25 : memref<1x80x128xi32, #tpu.memory_space<hbm>> -> memref<80x128xi32, #tpu.memory_space<hbm>>
      tpu.wait_dma2 semaphore(%run_scoped3A : memref<!tpu.dma_semaphore, #tpu.memory_space<semaphore_mem>>) src(%dma_wait3A_26 : memref<80x128xi32, #tpu.memory_space<hbm>>) dst(%arg7 : memref<80x128xi32, #tpu.memory_space<vmem>>)
      tpu.yield
    }) : () -> ()
    "tpu.region"() ({
      %run_scoped3A = tpu.sem_alloc : memref<!tpu.dma_semaphore, #tpu.memory_space<semaphore_mem>>
      %dma_start3A = arith.constant 0 : i32
      %dma_start3A_13 = arith.constant 0 : i32
      %dma_start3A_14 = tpu.memref_slice %arg4[%add3A, %dma_start3A, %dma_start3A_13] : memref<32x80x128xi32, #tpu.memory_space<hbm>> -> memref<1x80x128xi32, #tpu.memory_space<hbm>>
      %dma_start3A_15 = tpu.memref_squeeze %dma_start3A_14 : memref<1x80x128xi32, #tpu.memory_space<hbm>> -> memref<80x128xi32, #tpu.memory_space<hbm>>
      %dma_start3A_16 = arith.constant 0 : i32
      %dma_start3A_17 = arith.constant 0 : i32
      %dma_start3A_18 = tpu.memref_slice %arg4[%add3A, %dma_start3A_16, %dma_start3A_17] : memref<32x80x128xi32, #tpu.memory_space<hbm>> -> memref<1x80x128xi32, #tpu.memory_space<hbm>>
      %dma_start3A_19 = tpu.memref_squeeze %dma_start3A_18 : memref<1x80x128xi32, #tpu.memory_space<hbm>> -> memref<80x128xi32, #tpu.memory_space<hbm>>
      tpu.enqueue_dma source(%dma_start3A_19 : memref<80x128xi32, #tpu.memory_space<hbm>>) target(%arg8 : memref<80x128xi32, #tpu.memory_space<vmem>>) target_semaphore(%run_scoped3A : memref<!tpu.dma_semaphore, #tpu.memory_space<semaphore_mem>>)
      %dma_wait3A = arith.constant 0 : i32
      %dma_wait3A_20 = arith.constant 0 : i32
      %dma_wait3A_21 = tpu.memref_slice %arg4[%add3A, %dma_wait3A, %dma_wait3A_20] : memref<32x80x128xi32, #tpu.memory_space<hbm>> -> memref<1x80x128xi32, #tpu.memory_space<hbm>>
      %dma_wait3A_22 = tpu.memref_squeeze %dma_wait3A_21 : memref<1x80x128xi32, #tpu.memory_space<hbm>> -> memref<80x128xi32, #tpu.memory_space<hbm>>
      %dma_wait3A_23 = arith.constant 0 : i32
      %dma_wait3A_24 = arith.constant 0 : i32
      %dma_wait3A_25 = tpu.memref_slice %arg4[%add3A, %dma_wait3A_23, %dma_wait3A_24] : memref<32x80x128xi32, #tpu.memory_space<hbm>> -> memref<1x80x128xi32, #tpu.memory_space<hbm>>
      %dma_wait3A_26 = tpu.memref_squeeze %dma_wait3A_25 : memref<1x80x128xi32, #tpu.memory_space<hbm>> -> memref<80x128xi32, #tpu.memory_space<hbm>>
      tpu.wait_dma2 semaphore(%run_scoped3A : memref<!tpu.dma_semaphore, #tpu.memory_space<semaphore_mem>>) src(%dma_wait3A_26 : memref<80x128xi32, #tpu.memory_space<hbm>>) dst(%arg8 : memref<80x128xi32, #tpu.memory_space<vmem>>)
      tpu.yield
    }) : () -> ()
    %barrier3A = arith.constant 0 : index
    tpu.barrier barrier_id(%barrier3A)
    %scan3A = arith.constant 0 : i32
    %scan3A_3 = arith.constant 0 : i32
    %scan3A_4 = arith.constant 80 : i32
    %scan3A_5 = arith.addi %scan3A_3, %scan3A_4 : i32
    %scan3A_6 = arith.constant 1 : i32
    scf.for %scan3A_13 = %scan3A_3 to %scan3A_5 step %scan3A_6  : i32 {
      "tpu.region"() ({
        %run_scoped3A = tpu.sem_alloc : memref<!tpu.dma_semaphore, #tpu.memory_space<semaphore_mem>>
        %dma_start3A = arith.constant 0 : i32
        %dma_start3A_14 = tpu.memref_slice %arg7[%scan3A_13, %dma_start3A] : memref<80x128xi32, #tpu.memory_space<vmem>> -> memref<1x128xi32, #tpu.memory_space<vmem>>
        %dma_start3A_15 = tpu.memref_squeeze %dma_start3A_14 : memref<1x128xi32, #tpu.memory_space<vmem>> -> memref<128xi32, #tpu.memory_space<vmem>>
        %dma_start3A_16 = arith.constant 0 : i32
        %dma_start3A_17 = arith.constant 0 : i32
        %dma_start3A_18 = tpu.memref_slice %arg2[%dma_start3A_16, %dma_start3A_17] : memref<10000x128xf32, #tpu.memory_space<hbm>> -> memref<10000x128xf32, #tpu.memory_space<hbm>>
        tpu.enqueue_indirect_dma source(%dma_start3A_18 : memref<10000x128xf32, #tpu.memory_space<hbm>>) target(%arg9 : memref<128x128xf32, #tpu.memory_space<vmem>>) offsets(%dma_start3A_15 : memref<128xi32, #tpu.memory_space<vmem>>) semaphore(%run_scoped3A : memref<!tpu.dma_semaphore, #tpu.memory_space<semaphore_mem>>)
        %dma_wait3A = arith.constant 0 : i32
        %dma_wait3A_19 = tpu.memref_slice %arg7[%scan3A_13, %dma_wait3A] : memref<80x128xi32, #tpu.memory_space<vmem>> -> memref<1x128xi32, #tpu.memory_space<vmem>>
        %dma_wait3A_20 = tpu.memref_squeeze %dma_wait3A_19 : memref<1x128xi32, #tpu.memory_space<vmem>> -> memref<128xi32, #tpu.memory_space<vmem>>
        %dma_wait3A_21 = arith.constant 0 : i32
        %dma_wait3A_22 = arith.constant 0 : i32
        %dma_wait3A_23 = tpu.memref_slice %arg2[%dma_wait3A_21, %dma_wait3A_22] : memref<10000x128xf32, #tpu.memory_space<hbm>> -> memref<10000x128xf32, #tpu.memory_space<hbm>>
        tpu.wait_indirect_dma semaphore(%run_scoped3A : memref<!tpu.dma_semaphore, #tpu.memory_space<semaphore_mem>>) src(%dma_wait3A_23 : memref<10000x128xf32, #tpu.memory_space<hbm>>) dst(%arg9 : memref<128x128xf32, #tpu.memory_space<vmem>>)
        tpu.yield
      }) : () -> ()
      "tpu.region"() ({
        %run_scoped3A = tpu.sem_alloc : memref<!tpu.dma_semaphore, #tpu.memory_space<semaphore_mem>>
        %dma_start3A = arith.constant 0 : i32
        %dma_start3A_14 = tpu.memref_slice %arg8[%scan3A_13, %dma_start3A] : memref<80x128xi32, #tpu.memory_space<vmem>> -> memref<1x128xi32, #tpu.memory_space<vmem>>
        %dma_start3A_15 = tpu.memref_squeeze %dma_start3A_14 : memref<1x128xi32, #tpu.memory_space<vmem>> -> memref<128xi32, #tpu.memory_space<vmem>>
        %dma_start3A_16 = arith.constant 0 : i32
        %dma_start3A_17 = arith.constant 0 : i32
        %dma_start3A_18 = tpu.memref_slice %arg10[%dma_start3A_16, %dma_start3A_17] : memref<10240x128xf32, #tpu.memory_space<vmem_shared>> -> memref<10240x128xf32, #tpu.memory_space<vmem_shared>>
        tpu.enqueue_indirect_dma source(%arg9 : memref<128x128xf32, #tpu.memory_space<vmem>>) target(%dma_start3A_18 : memref<10240x128xf32, #tpu.memory_space<vmem_shared>>) offsets(%dma_start3A_15 : memref<128xi32, #tpu.memory_space<vmem>>) semaphore(%run_scoped3A : memref<!tpu.dma_semaphore, #tpu.memory_space<semaphore_mem>>) {add = true}
        %dma_wait3A = arith.constant 0 : i32
        %dma_wait3A_19 = tpu.memref_slice %arg8[%scan3A_13, %dma_wait3A] : memref<80x128xi32, #tpu.memory_space<vmem>> -> memref<1x128xi32, #tpu.memory_space<vmem>>
        %dma_wait3A_20 = tpu.memref_squeeze %dma_wait3A_19 : memref<1x128xi32, #tpu.memory_space<vmem>> -> memref<128xi32, #tpu.memory_space<vmem>>
        %dma_wait3A_21 = arith.constant 0 : i32
        %dma_wait3A_22 = arith.constant 0 : i32
        %dma_wait3A_23 = tpu.memref_slice %arg10[%dma_wait3A_21, %dma_wait3A_22] : memref<10240x128xf32, #tpu.memory_space<vmem_shared>> -> memref<10240x128xf32, #tpu.memory_space<vmem_shared>>
        tpu.wait_indirect_dma semaphore(%run_scoped3A : memref<!tpu.dma_semaphore, #tpu.memory_space<semaphore_mem>>) src(%arg9 : memref<128x128xf32, #tpu.memory_space<vmem>>) dst(%dma_wait3A_23 : memref<10240x128xf32, #tpu.memory_space<vmem_shared>>)
        tpu.yield
      }) : () -> ()
    }
    %scan3A_7 = arith.constant 80 : i32
    %barrier3A_8 = arith.constant 0 : index
    tpu.barrier barrier_id(%barrier3A_8)
    %mul3A_9 = arith.constant 640 : i32
    %mul3A_10 = arith.muli %arg1, %mul3A_9 : i32
    %mul3A_11 = arith.constant 640 : i32
    %mul3A_12 = arith.muli %arg1, %mul3A_11 : i32
    "tpu.region"() ({
      %run_scoped3A = tpu.sem_alloc : memref<!tpu.dma_semaphore, #tpu.memory_space<semaphore_mem>>
      %dma_start3A = arith.constant 0 : i32
      %dma_start3A_13 = tpu.memref_slice %arg6[%arg0, %mul3A_12, %dma_start3A] : memref<2x10240x128xf32, #tpu.memory_space<hbm>> -> memref<1x640x128xf32, #tpu.memory_space<hbm>>
      %dma_start3A_14 = tpu.memref_squeeze %dma_start3A_13 : memref<1x640x128xf32, #tpu.memory_space<hbm>> -> memref<640x128xf32, #tpu.memory_space<hbm>>
      %dma_start3A_15 = arith.constant 0 : i32
      %dma_start3A_16 = tpu.memref_slice %arg10[%mul3A_10, %dma_start3A_15] : memref<10240x128xf32, #tpu.memory_space<vmem_shared>> -> memref<640x128xf32, #tpu.memory_space<vmem_shared>>
      tpu.enqueue_dma source(%dma_start3A_16 : memref<640x128xf32, #tpu.memory_space<vmem_shared>>) target(%dma_start3A_14 : memref<640x128xf32, #tpu.memory_space<hbm>>) target_semaphore(%run_scoped3A : memref<!tpu.dma_semaphore, #tpu.memory_space<semaphore_mem>>)
      %dma_wait3A = arith.constant 0 : i32
      %dma_wait3A_17 = tpu.memref_slice %arg6[%arg0, %mul3A_12, %dma_wait3A] : memref<2x10240x128xf32, #tpu.memory_space<hbm>> -> memref<1x640x128xf32, #tpu.memory_space<hbm>>
      %dma_wait3A_18 = tpu.memref_squeeze %dma_wait3A_17 : memref<1x640x128xf32, #tpu.memory_space<hbm>> -> memref<640x128xf32, #tpu.memory_space<hbm>>
      %dma_wait3A_19 = arith.constant 0 : i32
      %dma_wait3A_20 = tpu.memref_slice %arg10[%mul3A_10, %dma_wait3A_19] : memref<10240x128xf32, #tpu.memory_space<vmem_shared>> -> memref<640x128xf32, #tpu.memory_space<vmem_shared>>
      tpu.wait_dma2 semaphore(%run_scoped3A : memref<!tpu.dma_semaphore, #tpu.memory_space<semaphore_mem>>) src(%dma_wait3A_20 : memref<640x128xf32, #tpu.memory_space<vmem_shared>>) dst(%dma_wait3A_18 : memref<640x128xf32, #tpu.memory_space<hbm>>)
      tpu.yield
    }) : () -> ()
    return
  }
}

module attributes {stable_mosaic.version = 14 : i64} {
  func.func @_g1_body(%arg0: memref<10000x128xf32, #tpu.memory_space<vmem>>, %arg1: memref<128x128xf32, #tpu.memory_space<vmem>>, %arg2: memref<2x10240x128xf32, #tpu.memory_space<vmem>>, %arg3: memref<10000x128xf32, #tpu.memory_space<vmem>>, %arg4: memref<10000x1xf32, #tpu.memory_space<vmem>>) attributes {dimension_semantics = [], scalar_prefetch = 0 : i64, scratch_operands = 0 : i64, tpu.core_type = #tpu.core_type<tc>} {
    %get3A = arith.constant 0 : index
    %get3A_0 = arith.constant 0 : index
    %get3A_1 = arith.constant 0 : index
    %get3A_2 = vector.load %arg2[%get3A, %get3A_0, %get3A_1] : memref<2x10240x128xf32, #tpu.memory_space<vmem>>, vector<1x10000x1xf32>
    %get3A_3 = vector.shape_cast %get3A_2 : vector<1x10000x1xf32> to vector<10000x1xf32>
    %get3A_4 = arith.constant 1 : index
    %get3A_5 = arith.constant 0 : index
    %get3A_6 = arith.constant 0 : index
    %get3A_7 = vector.load %arg2[%get3A_4, %get3A_5, %get3A_6] : memref<2x10240x128xf32, #tpu.memory_space<vmem>>, vector<1x10000x1xf32>
    %get3A_8 = vector.shape_cast %get3A_7 : vector<1x10000x1xf32> to vector<10000x1xf32>
    %add3A = arith.addf %get3A_3, %get3A_8 : vector<10000x1xf32>
    %add3A_9 = arith.constant 1.000000e+00 : f32
    %add3A_10 = vector.broadcast %add3A_9 : f32 to vector<10000x1xf32>
    %add3A_11 = arith.addf %add3A, %add3A_10 : vector<10000x1xf32>
    %rsqrt3A = math.rsqrt %add3A_11 : vector<10000x1xf32>
    %get3A_12 = arith.constant 0 : index
    %get3A_13 = arith.constant 0 : index
    %get3A_14 = vector.load %arg0[%get3A_12, %get3A_13] : memref<10000x128xf32, #tpu.memory_space<vmem>>, vector<10000x128xf32>
    %get3A_15 = arith.constant 0 : index
    %get3A_16 = arith.constant 0 : index
    %get3A_17 = vector.load %arg1[%get3A_15, %get3A_16] : memref<128x128xf32, #tpu.memory_space<vmem>>, vector<128x128xf32>
    %dot_general3A = arith.constant dense<0.000000e+00> : vector<10000x128xf32>
    %dot_general3A_18 = tpu.matmul %get3A_14, %get3A_17, %dot_general3A {dimension_numbers = #tpu.dot_dimension_numbers<[1], [0], [0], [1], [0, 0, 1, 1], [], []>, transpose_lhs_hint = false} : vector<10000x128xf32>, vector<128x128xf32>, vector<10000x128xf32> -> vector<10000x128xf32>
    %mul3A = vector.broadcast %rsqrt3A : vector<10000x1xf32> to vector<10000x128xf32>
    %mul3A_19 = arith.mulf %dot_general3A_18, %mul3A : vector<10000x128xf32>
    %swap3A = arith.constant 0 : index
    %swap3A_20 = arith.constant 0 : index
    %swap3A_21 = vector.load %arg3[%swap3A, %swap3A_20] : memref<10000x128xf32, #tpu.memory_space<vmem>>, vector<10000x128xf32>
    tpu.vector_store %arg3[%swap3A, %swap3A_20], %mul3A_19 {strides = array<i32>} : memref<10000x128xf32, #tpu.memory_space<vmem>>, vector<10000x128xf32>,
    %swap3A_22 = arith.constant 0 : index
    %swap3A_23 = arith.constant 0 : index
    %swap3A_24 = vector.load %arg4[%swap3A_22, %swap3A_23] : memref<10000x1xf32, #tpu.memory_space<vmem>>, vector<10000x1xf32>
    tpu.vector_store %arg4[%swap3A_22, %swap3A_23], %rsqrt3A {strides = array<i32>} : memref<10000x1xf32, #tpu.memory_space<vmem>>, vector<10000x1xf32>,
    return
  }
}

module attributes {stable_mosaic.version = 14 : i64} {
  func.func @_layer_body(%arg0: memref<2x10240x128xf32, #tpu.memory_space<vmem>>, %arg1: memref<10000x128xf32, #tpu.memory_space<vmem>>, %arg2: memref<10000x1xf32, #tpu.memory_space<vmem>>, %arg3: memref<1x128xf32, #tpu.memory_space<vmem>>, %arg4: memref<128x128xf32, #tpu.memory_space<vmem>>, %arg5: memref<10000x128xf32, #tpu.memory_space<vmem>>) attributes {dimension_semantics = [], scalar_prefetch = 0 : i64, scratch_operands = 0 : i64, tpu.core_type = #tpu.core_type<tc>} {
    %get3A = arith.constant 0 : index
    %get3A_0 = arith.constant 0 : index
    %get3A_1 = arith.constant 0 : index
    %get3A_2 = vector.load %arg0[%get3A, %get3A_0, %get3A_1] : memref<2x10240x128xf32, #tpu.memory_space<vmem>>, vector<1x10000x128xf32>
    %get3A_3 = vector.shape_cast %get3A_2 : vector<1x10000x128xf32> to vector<10000x128xf32>
    %get3A_4 = arith.constant 1 : index
    %get3A_5 = arith.constant 0 : index
    %get3A_6 = arith.constant 0 : index
    %get3A_7 = vector.load %arg0[%get3A_4, %get3A_5, %get3A_6] : memref<2x10240x128xf32, #tpu.memory_space<vmem>>, vector<1x10000x128xf32>
    %get3A_8 = vector.shape_cast %get3A_7 : vector<1x10000x128xf32> to vector<10000x128xf32>
    %add3A = arith.addf %get3A_3, %get3A_8 : vector<10000x128xf32>
    %get3A_9 = arith.constant 0 : index
    %get3A_10 = arith.constant 0 : index
    %get3A_11 = vector.load %arg1[%get3A_9, %get3A_10] : memref<10000x128xf32, #tpu.memory_space<vmem>>, vector<10000x128xf32>
    %add3A_12 = arith.addf %add3A, %get3A_11 : vector<10000x128xf32>
    %get3A_13 = arith.constant 0 : index
    %get3A_14 = arith.constant 0 : index
    %get3A_15 = vector.load %arg2[%get3A_13, %get3A_14] : memref<10000x1xf32, #tpu.memory_space<vmem>>, vector<10000x1xf32>
    %mul3A = vector.broadcast %get3A_15 : vector<10000x1xf32> to vector<10000x128xf32>
    %mul3A_16 = arith.mulf %add3A_12, %mul3A : vector<10000x128xf32>
    %get3A_17 = arith.constant 0 : index
    %get3A_18 = arith.constant 0 : index
    %get3A_19 = vector.load %arg3[%get3A_17, %get3A_18] : memref<1x128xf32, #tpu.memory_space<vmem>>, vector<1x128xf32>
    %add3A_20 = vector.broadcast %get3A_19 : vector<1x128xf32> to vector<10000x128xf32>
    %add3A_21 = arith.addf %mul3A_16, %add3A_20 : vector<10000x128xf32>
    %max3A = arith.constant 0.000000e+00 : f32
    %max3A_22 = vector.broadcast %max3A : f32 to vector<10000x128xf32>
    %max3A_23 = arith.maximumf %add3A_21, %max3A_22 : vector<10000x128xf32>
    %get3A_24 = arith.constant 0 : index
    %get3A_25 = arith.constant 0 : index
    %get3A_26 = vector.load %arg4[%get3A_24, %get3A_25] : memref<128x128xf32, #tpu.memory_space<vmem>>, vector<128x128xf32>
    %dot_general3A = arith.constant dense<0.000000e+00> : vector<10000x128xf32>
    %dot_general3A_27 = tpu.matmul %max3A_23, %get3A_26, %dot_general3A {dimension_numbers = #tpu.dot_dimension_numbers<[1], [0], [0], [1], [0, 0, 1, 1], [], []>, transpose_lhs_hint = false} : vector<10000x128xf32>, vector<128x128xf32>, vector<10000x128xf32> -> vector<10000x128xf32>
    %get3A_28 = arith.constant 0 : index
    %get3A_29 = arith.constant 0 : index
    %get3A_30 = vector.load %arg2[%get3A_28, %get3A_29] : memref<10000x1xf32, #tpu.memory_space<vmem>>, vector<10000x1xf32>
    %mul3A_31 = vector.broadcast %get3A_30 : vector<10000x1xf32> to vector<10000x128xf32>
    %mul3A_32 = arith.mulf %dot_general3A_27, %mul3A_31 : vector<10000x128xf32>
    %swap3A = arith.constant 0 : index
    %swap3A_33 = arith.constant 0 : index
    %swap3A_34 = vector.load %arg5[%swap3A, %swap3A_33] : memref<10000x128xf32, #tpu.memory_space<vmem>>, vector<10000x128xf32>
    tpu.vector_store %arg5[%swap3A, %swap3A_33], %mul3A_32 {strides = array<i32>} : memref<10000x128xf32, #tpu.memory_space<vmem>>, vector<10000x128xf32>,
    return
  }
}

module attributes {stable_mosaic.version = 14 : i64} {
  func.func @_final_body(%arg0: memref<2x10240x128xf32, #tpu.memory_space<vmem>>, %arg1: memref<10000x128xf32, #tpu.memory_space<vmem>>, %arg2: memref<10000x1xf32, #tpu.memory_space<vmem>>, %arg3: memref<1x128xf32, #tpu.memory_space<vmem>>, %arg4: memref<128x1xf32, #tpu.memory_space<vmem>>, %arg5: memref<1x1xf32, #tpu.memory_space<vmem>>, %arg6: memref<10000x1xf32, #tpu.memory_space<vmem>>) attributes {dimension_semantics = [], scalar_prefetch = 0 : i64, scratch_operands = 0 : i64, tpu.core_type = #tpu.core_type<tc>} {
    %get3A = arith.constant 0 : index
    %get3A_0 = arith.constant 0 : index
    %get3A_1 = arith.constant 0 : index
    %get3A_2 = vector.load %arg0[%get3A, %get3A_0, %get3A_1] : memref<2x10240x128xf32, #tpu.memory_space<vmem>>, vector<1x10000x128xf32>
    %get3A_3 = vector.shape_cast %get3A_2 : vector<1x10000x128xf32> to vector<10000x128xf32>
    %get3A_4 = arith.constant 1 : index
    %get3A_5 = arith.constant 0 : index
    %get3A_6 = arith.constant 0 : index
    %get3A_7 = vector.load %arg0[%get3A_4, %get3A_5, %get3A_6] : memref<2x10240x128xf32, #tpu.memory_space<vmem>>, vector<1x10000x128xf32>
    %get3A_8 = vector.shape_cast %get3A_7 : vector<1x10000x128xf32> to vector<10000x128xf32>
    %add3A = arith.addf %get3A_3, %get3A_8 : vector<10000x128xf32>
    %get3A_9 = arith.constant 0 : index
    %get3A_10 = arith.constant 0 : index
    %get3A_11 = vector.load %arg1[%get3A_9, %get3A_10] : memref<10000x128xf32, #tpu.memory_space<vmem>>, vector<10000x128xf32>
    %add3A_12 = arith.addf %add3A, %get3A_11 : vector<10000x128xf32>
    %get3A_13 = arith.constant 0 : index
    %get3A_14 = arith.constant 0 : index
    %get3A_15 = vector.load %arg2[%get3A_13, %get3A_14] : memref<10000x1xf32, #tpu.memory_space<vmem>>, vector<10000x1xf32>
    %mul3A = vector.broadcast %get3A_15 : vector<10000x1xf32> to vector<10000x128xf32>
    %mul3A_16 = arith.mulf %add3A_12, %mul3A : vector<10000x128xf32>
    %get3A_17 = arith.constant 0 : index
    %get3A_18 = arith.constant 0 : index
    %get3A_19 = vector.load %arg3[%get3A_17, %get3A_18] : memref<1x128xf32, #tpu.memory_space<vmem>>, vector<1x128xf32>
    %add3A_20 = vector.broadcast %get3A_19 : vector<1x128xf32> to vector<10000x128xf32>
    %add3A_21 = arith.addf %mul3A_16, %add3A_20 : vector<10000x128xf32>
    %max3A = arith.constant 0.000000e+00 : f32
    %max3A_22 = vector.broadcast %max3A : f32 to vector<10000x128xf32>
    %max3A_23 = arith.maximumf %add3A_21, %max3A_22 : vector<10000x128xf32>
    %get3A_24 = arith.constant 0 : index
    %get3A_25 = arith.constant 0 : index
    %get3A_26 = vector.load %arg4[%get3A_24, %get3A_25] : memref<128x1xf32, #tpu.memory_space<vmem>>, vector<128x1xf32>
    %dot_general3A = arith.constant dense<0.000000e+00> : vector<10000x1xf32>
    %dot_general3A_27 = tpu.matmul %max3A_23, %get3A_26, %dot_general3A {dimension_numbers = #tpu.dot_dimension_numbers<[1], [0], [0], [1], [0, 0, 1, 1], [], []>, transpose_lhs_hint = false} : vector<10000x128xf32>, vector<128x1xf32>, vector<10000x1xf32> -> vector<10000x1xf32>
    %get3A_28 = arith.constant 0 : index
    %get3A_29 = arith.constant 0 : index
    %get3A_30 = vector.load %arg5[%get3A_28, %get3A_29] : memref<1x1xf32, #tpu.memory_space<vmem>>, vector<1x1xf32>
    %add3A_31 = vector.broadcast %get3A_30 : vector<1x1xf32> to vector<10000x1xf32>
    %add3A_32 = arith.addf %dot_general3A_27, %add3A_31 : vector<10000x1xf32>
    %swap3A = arith.constant 0 : index
    %swap3A_33 = arith.constant 0 : index
    %swap3A_34 = vector.load %arg6[%swap3A, %swap3A_33] : memref<10000x1xf32, #tpu.memory_space<vmem>>, vector<10000x1xf32>
    tpu.vector_store %arg6[%swap3A, %swap3A_33], %add3A_32 {strides = array<i32>} : memref<10000x1xf32, #tpu.memory_space<vmem>>, vector<10000x1xf32>,
    return
  }
}

</mosaic_0001>

<sc_bundles>
// kernel: kernel.11.cloned.1.call-start
scs
__scs_entry_jumppad:
0x0: {  	(pc) =	sbr.rel $0x88, $3  }
0x1: {  	(tag) =	ssettag $0x0;
	lr =	simm.s32 $0x1  }
0x2: {  	[smem:$0x3F99] =	sst lr;
	_ =	strace $0xD0000000  }
0x3: {  	_ = 	snop  }
0x4: {  	_ = 	snop  }
0x5: {  	_ = 	snop  }
0x6: {  	_ = 	snop  }
0x7: {  	_ = 	snop  }
__scs_overlays_trampoline_lowered:
0x8: {  	[smem:$0x3FA8] =	sst s0  }
0x9: {  	[smem:$0x3FA9] =	sst s1  }
0xa: {  	[smem:$0x3FAA] =	sst s2  }
0xb: {  	[smem:$0x3FAB] =	sst s3  }
0xc: {  	[smem:$0x3FAC] =	sst s4  }
0xd: {  	[smem:$0x3FAD] =	sst s5  }
0xe: {  	[smem:$0x3FAE] =	sst s6  }
0xf: {  	[smem:$0x3FAF] =	sst s7  }
0x10: {  	[smem:$0x3FB0] =	sst s8  }
0x11: {  	[smem:$0x3FB1] =	sst s9;
	s0 =	simm.s32 @!p0 $0x0  }
0x12: {  	s1 =	sld [smem:$0x3F97];
	s0 =	simm.s32 @p0 $0x1  }
0x13: {  	[smem:$0x3FB2] =	sst s0;
	s0 =	simm.s32 @!p1 $0x0  }
0x14: {  	s2 =	sld [smem:$0x3F96];
	s0 =	simm.s32 @p1 $0x1  }
0x15: {  	[smem:$0x3FB3] =	sst s0;
	s0 =	simm.s32 @!p2 $0x0  }
0x16: {  	s3 =	sld [smem:$0x3FDB];
	s0 =	simm.s32 @p2 $0x1  }
0x17: {  	s4 =	simm.s32 $0x1BF5;
	[smem:$0x3FB5] =	sst s0  }
0x18: {  	s0 =	sld [smem:$0x3F98];
	_ =	swait.ge [sflag:s4], $0x0  }
0x19: {  	s7 =	sld [smem:$0x3F99]  }
0x1a: {  	s8 =	sadd.s32 $0xFFFFE003, lr  }
0x1b: {  	s9 =	sadd.s32 $0xFFFFFEF7, lr;
	s5 =	simm.s32 $0xFFFFFFFF;
	p2 =	slt.u32 s8, $0xFFFFF086  }
0x1c: {  	p1 =	slt.u32 s9, $0xF7A;
	s5 =	simm.s32 @!p2 $0x0  }
0x1d: {  	s5 =	simm.s32 @p1 $0x1;
	p0 =	seq.s32 s7, s2  }
0x1e: {  	s7 =	smul.u32 @!p0 $0xF7A, s2;
	p2 =	seq.s32 @!p0 s5, $0x0  }
0x1f: {  	s9 =	smul.u32 $0xF7A, s1;
	s8 =	simm.s32 @!p0 $0x1BF5;
	p2 =	por !p2, p0  }
0x20: {  	[sflag:s8] =	ssyncset.s32 @!p0 $0xFFFFF086;
	s6 =	sadd.s32 @!p0 s3, s7;
	s7 =	simm.s32 @!p0 $0x108  }
0x21: {  	s3 =	sadd.s32 s3, s9;
	s6 =	sadd.s32 @!p0 $0x88, s6;
	s7 =	simm.s32 @p2 $0x1082  }
0x22: {  	[simem:s7], [sflag:s8] =	dma.local @!p0 [hbm:s6], $0xF7A  }
0x23: {  	s9 =	sor.u32 $0xD0000000, s2;
	s6 =	simm.s32 $0x108;
	_ =	swait.ge @!p0 [sflag:s8], $0x0  }
0x24: {  	s3 =	sadd.s32 $0x88, s3;
	s6 =	simm.s32 @!p1 $0x1082;
	[sflag:s4] =	ssyncset.s32 $0xFFFFF086  }
0x25: {  	[simem:s6], [sflag:s4] =	dma.local [hbm:s3], $0xF7A  }
0x26: {  	[smem:$0x3F99] =	sst s1;
	(tag) =	ssettag s2;
	_ =	strace s9  }
0x27: {  	s1 =	sld [smem:$0x3FA9]  }
0x28: {  	s2 =	sld [smem:$0x3FAA]  }
0x29: {  	s4 =	sld [smem:$0x3FAC]  }
0x2a: {  	p0 =	seq.s32 s5, $0x0;
	s5 =	sld [smem:$0x3FAD]  }
0x2b: {  	s6 =	sld [smem:$0x3FAE]  }
0x2c: {  	s7 =	sld [smem:$0x3FAF]  }
0x2d: {  	s3 =	simm.s32 $0x108;
	s8 =	sld [smem:$0x3FB0]  }
0x2e: {  	s3 =	simm.s32 @!p0 $0x1082;
	s9 =	sld [smem:$0x3FB1]  }
0x2f: {  	lr =	sadd.s32 s0, s3;
	s0 =	sld [smem:$0x3FA8]  }
0x30: {  	s3 =	sld [smem:$0x3FAB]  }
0x31: {  	[smem:$0x3FB4] =	sst s10  }
0x32: {  	s10 =	sld [smem:$0x3FB2];
	_ =	sdelay $0x3  }
0x33: {  	p0 =	seq.s32 s10, $0x1;
	s10 =	sld [smem:$0x3FB4];
	_ =	sdelay $0x3  }
0x34: {  	[smem:$0x3FB4] =	sst s10  }
0x35: {  	s10 =	sld [smem:$0x3FB3];
	_ =	sdelay $0x3  }
0x36: {  	p1 =	seq.s32 s10, $0x1;
	s10 =	sld [smem:$0x3FB4];
	_ =	sdelay $0x3  }
0x37: {  	[smem:$0x3FB4] =	sst s10  }
0x38: {  	s10 =	sld [smem:$0x3FB5]  }
0x39: {  	_ = 	snop;
	(pc) =	sbr.ind lr, $3  }
0x3a: {  	_ = 	snop  }
0x3b: {  	_ = 	snop  }
0x3c: {  	p2 =	seq.s32 s10, $0x1;
	s10 =	sld [smem:$0x3FB4]  }
0x3d: {  	_ =	shalt  }
0x3e: {  	_ =	shalt  }
0x3f: {  	_ =	shalt  }
0x40: {  	_ =	shalt  }
0x41: {  	_ =	shalt  }
0x42: {  	_ =	shalt  }
0x43: {  	_ =	shalt  }
0x44: {  	_ =	shalt  }
0x45: {  	_ =	shalt  }
0x46: {  	_ =	shalt  }
0x47: {  	_ =	shalt  }
0x48: {  	_ =	shalt  }
0x49: {  	_ =	shalt  }
0x4a: {  	_ =	shalt  }
0x4b: {  	_ =	shalt  }
0x4c: {  	_ =	shalt  }
0x4d: {  	_ =	shalt  }
0x4e: {  	_ =	shalt  }
0x4f: {  	_ =	shalt  }
0x50: {  	_ =	shalt  }
0x51: {  	_ =	shalt  }
0x52: {  	_ =	shalt  }
0x53: {  	_ =	shalt  }
0x54: {  	_ =	shalt  }
0x55: {  	_ =	shalt  }
0x56: {  	_ =	shalt  }
0x57: {  	_ =	shalt  }
0x58: {  	_ =	shalt  }
0x59: {  	_ =	shalt  }
0x5a: {  	_ =	shalt  }
0x5b: {  	_ =	shalt  }
0x5c: {  	_ =	shalt  }
0x5d: {  	_ =	shalt  }
0x5e: {  	_ =	shalt  }
0x5f: {  	_ =	shalt  }
0x60: {  	_ =	shalt  }
0x61: {  	_ =	shalt  }
0x62: {  	_ =	shalt  }
0x63: {  	_ =	shalt  }
0x64: {  	_ =	shalt  }
0x65: {  	_ =	shalt  }
0x66: {  	_ =	shalt  }
0x67: {  	_ =	shalt  }
0x68: {  	_ =	shalt  }
0x69: {  	_ =	shalt  }
0x6a: {  	_ =	shalt  }
0x6b: {  	_ =	shalt  }
0x6c: {  	_ =	shalt  }
0x6d: {  	_ =	shalt  }
0x6e: {  	_ =	shalt  }
0x6f: {  	_ =	shalt  }
0x70: {  	_ =	shalt  }
0x71: {  	_ =	shalt  }
0x72: {  	_ =	shalt  }
0x73: {  	_ =	shalt  }
0x74: {  	_ =	shalt  }
0x75: {  	_ =	shalt  }
0x76: {  	_ =	shalt  }
0x77: {  	_ =	shalt  }
0x78: {  	_ =	shalt  }
0x79: {  	_ =	shalt  }
0x7a: {  	_ =	shalt  }
0x7b: {  	_ =	shalt  }
0x7c: {  	_ =	shalt  }
0x7d: {  	_ =	shalt  }
0x7e: {  	_ =	shalt  }
0x7f: {  	_ =	shalt  }
0x80: {  	_ =	shalt  }
0x81: {  	_ =	shalt  }
0x82: {  	_ =	shalt  }
0x83: {  	_ =	shalt  }
0x84: {  	_ =	shalt  }
0x85: {  	_ =	shalt  }
0x86: {  	_ =	shalt  }
0x87: {  	_ =	shalt  }
.Lfunc_end0:
.L_simem_size_0:
called_computation.1_lowered:
.L_overlay_start_0:
0x88: {  	s2 =	sld [smem:$0x3FD9]  }
0x89: {  	s3 =	sld [smem:$0x3FFE];
	_ =	sdelay $0x1  }
0x8a: {  	s1 =	srdreg.scid  }
0x8b: {  	s0 =	sand.u32 $0x1, s1  }
0x8c: {  	s16 =	sshll.u32 s0, $0xA;
	s2 =	sadd.s32 s3, s2  }
0x8d: {  	s2 =	sadd.s32 s2, s16  }
0x8e: {  	[smem:$0x3FC0] =	sst s2  }
0x8f: {  	_ = 	snop  }
0x90: {  	(tm) =	ssettm $0x1  }
0x91: {  	s17 =	sld [smem:$0x3FFB];
	_ =	sdelay $0x3  }
0x92: {  	_ =	strace s17  }
0x93: {  	s2 =	sld [smem:$0x3FFC];
	_ =	sdelay $0x3  }
0x94: {  	_ =	strace s2  }
0x95: {  	s2 =	sld [smem:$0x3FFD];
	_ =	sdelay $0x3  }
0x96: {  	_ =	strace s2  }
0x97: {  	_ =	strace $0x8FFFFFFF  }
0x98: {  	s18 =	sld [smem:$0x3FDB];
	_ =	sdelay $0x1  }
0x99: {  	s19 =	simm.s32 $_scs_section_size  }
0x9a: {  	s4 =	simm.s32 $_size__tile_overlayer_lowered;
	s5 =	simm.s32 $_tile_overlayer_lowered  }
0x9b: {  	s22 =	simm.s32 $0x1BFF;
	s21 =	sshll.u32 s5, $0x1;
	s2 =	sadd.s32 s19, s18  }
0x9c: {  	s6 =	simm.s32 $0x0;
	s20 =	sshll.u32 s4, $0x1;
	s4 =	sadd.s32 s21, s2  }
0x9d: {  	[timem:s6], [sflag:s22] =	dma.local [hbm:s4], s20  }
0x9e: {  	_ =	swait.ge [sflag:s22], s20  }
0x9f: {  	s3 =	ssub.s32 $0x0, s20;
	[sflag:s22] =	ssyncset.done $0x0  }
0xa0: {  	[sflag:s22] =	ssyncadd.s32 s3;
	_ =	sdelay $0x1  }
0xa1: {  	s23 =	simm.s32 $0x1B8B  }
0xa2: {  	_ =	swait.ge [sflag:s23], $0x1  }
0xa3: {  	[sflag:s23] =	ssyncset.done $0x0  }
0xa4: {  	s25 =	simm.s32 $0x1B8E;
	s24 =	sld [smem:$0x3FFE];
	[sflag:s23] =	ssyncadd.s32 $0xFFFFFFFF  }
0xa5: {  	s26 =	simm.s32 $execute0_lowered;
	[smem:$0x3FD2] =	sst s25  }
0xa6: {  	s4 =	sshll.u32 s26, $0x1;
	_ =	strace $0x80000049;
	[dreg:$0x1] =	wrdreg $0xFFFFFFFF  }
0xa7: {  	s28 =	simm.s32 $_size_execute0_lowered;
	s2 =	sadd.s32 s2, s4;
	[dreg:$0x0] =	wrdreg $0x0  }
0xa8: {  	s4 =	sshll.u32 s28, $0x1;
	[dreg:$0x2] =	wrdreg s2  }
0xa9: {  	[dreg:$0x3] =	wrdreg s4  }
0xaa: {  	[dreg:$0x4] =	wrdreg $0xC0  }
0xab: {  	_ =	task [dreg:s6], $0x5FFFF  }
0xac: {  	[dreg:$0x1] =	wrdreg $0xFFFFFFFF  }
0xad: {  	[dreg:$0x0] =	wrdreg $0x60  }
0xae: {  	[dreg:$0x2] =	wrdreg s24  }
0xaf: {  	[dreg:$0x3] =	wrdreg $0x90000  }
0xb0: {  	[dreg:$0x4] =	wrdreg $0x9  }
0xb1: {  	_ =	task.clear_ibuf [dreg:s6], $0x5FFFF;
	_ =	strace $0x90000049  }
0xb2: {  	s29 =	simm.s32 $0x9;
	_ =	strace $0x8000004B  }
0xb3: {  	_ =	swait.ge [sflag:s29], $0x1  }
0xb4: {  	[sflag:s29] =	ssyncadd.s32 $0xFFFFFFFF  }
0xb5: {  	_ =	strace $0x9000004B  }
0xb6: {  	_ =	sfence  }
0xb7: {  	s30 =	sld [smem:$0x0];
	_ =	sdelay $0x2  }
0xb8: {  	s31 =	sshll.u32 s1, $0xD;
	s1 =	sshrl.u32 s1, $0x2  }
0xb9: {  	s3 =	sand.u32 $0x4000, s31;
	s1 =	sadd.s32 s1, s30  }
0xba: {  	s0 =	sor.u32 s3, s0;
	s1 =	sshll.u32 s1, $0x11  }
0xbb: {  	s0 =	sor.u32 s1, s0  }
0xbc: {  	s0 =	sadd.s32 $0x8F2B, s0  }
0xbd: {  	[sflag:s0] =	ssyncadd.remote.s32 $0x1  }
0xbe: {  	_ =	sfence.sel $0xFFFF  }
0xbf: {  	[dreg:$0x0] =	wrdreg $0xFFFFFFFF;
	(pc) =	sbr.abs _section_cstart, $3  }
0xc0: {  	[dreg:$0x1] =	wrdreg $0xFFFFFFFF  }
0xc1: {  	_ =	task.clear_ibuf [dreg:s6], $0x2FFFF;
	_ =	strace $0x9FFFFFFF  }
0xc2: {  	(tm) =	ssettm $0x7FFFFFFF  }
0xc3: {  	_ =	shalt  }
tec
execute0_lowered:
.L_overlay_start_1:
0x0: {  	(tag) =	ssettag $0x1  }
0x1: {  	s0 =	srdreg.scid;
	s6 =	rddreg [dreg:$0x0]  }
0x2: {  	s2 =	rddreg [dreg:$0x1];
	s3 =	simm.s32 $0x0;
	s14 =	simm.s32 $0x80  }
0x3: {  	s15 =	simm.s32 $0x5000;
	s5 =	sand.u32 $0x1, s0;
	s0 =	stileid.u32  }
0x4: {  	s16 =	simm.s32 $0x0;
	[smem:$0x7FF] =	sst s3;
	s8 =	smul.u32 $0x140000, s5  }
0x5: {  	s4 =	sadd.s32 $0xE800, s6;
	s1 =	sshll.u32 s5, $0x4;
	s9 =	smul.u32 $0x14000, s0  }
0x6: {  	s26 =	ssub.s32 $0x2, s5;
	s28 =	smul.u32 $0x50000, s0;
	s5 =	sadd.s32 $0xC000, s6  }
0x7: {  	s31 =	sshll.u32 s0, $0x6;
	s1 =	sor.u32 s0, s1;
	s29 =	sshrl.u32 s26, $0x1  }
0x8: {  	s7 =	smul.u32 $0x500, s1;
	s1 =	rddreg [dreg:$0x2];
	_ =	strace $0x8000004A  }
0x9: {  	s25 =	sadd.s32 s9, s8;
	s12 =	ssub.s32 s26, s29;
	s30 =	sshrl.u32 s28, $0x2  }
0xa: {  	s13 =	sadd.s32 s30, s2;
	s10 =	sadd.s32 s7, s6;
	s7 =	sshrl.u32 s25, $0x3  }
0xb: {  	s11 =	sadd.s32 s7, s6;
	s6 =	sor.u32 $0x1C01, s31;
	s7 =	sadd.s32 $0x5F000, s10  }
0xc: {  	s8 =	sadd.s32 $0x2000, s10;
	s10 =	smax.u32 s12, $0x1;
	s12 =	simm.s32 $0x1  }
0xd: {  	s9 =	sadd.s32 $0x69000, s11;
	s11 =	sshrl.u32 s13, $0x3;
	s13 =	simm.s32 $0x2800  }
.LBB2_1:
0xe: {  	[spmem:s11], [sflag:s6] =	dma.local [hbm:s5], $0x2800  }
0xf: {  	_ =	swait.ge [sflag:s12], $0x2800  }
0x10: {  	[sflag:s12] =	ssyncset.done $0x0  }
0x11: {  	[sflag:s12] =	ssyncadd.s32 $0xFFFFD800  }
0x12: {  	[tilespmem:s3], [sflag:$0x1] =	stream.linear.gather [hbm4b:s7+s3], $0x2800, $0x38;
	[tilespmem:$0x1D000] =	vst v63  }
0x13: {  	_ =	swait.ge [sflag:s12], $0x2800  }
0x14: {  	[sflag:s12] =	ssyncset.done $0x0  }
0x15: {  	[sflag:s12] =	ssyncadd.s32 $0xFFFFD800  }
0x16: {  	[tilespmem:s13], [sflag:$0x1] =	stream.linear.gather [hbm4b:s8+s3], $0x2800, $0x38;
	[tilespmem:$0x1D000] =	vst v63  }
0x17: {  	_ =	swait.ge [sflag:s12], $0x2800  }
0x18: {  	[sflag:s12] =	ssyncset.done $0x0  }
0x19: {  	[sflag:s12] =	ssyncadd.s32 $0xFFFFD800  }
0x1a: {  	s17 =	simm.s32 $0x0;
	[bflag:$0x0] =	sbarrier.arrive $0xFFFF  }
0x1b: {  	[tilespmem:s15], [sflag:$0x1] =	stream.indirect.gather [hbm4b:s4+s14], $0x80, s17, s14, $0xb8;
	[tilespmem:$0x1D000] =	vst v63  }
0x1c: {  	_ =	swait.ge [sflag:s12], $0x4000  }
0x1d: {  	[sflag:s12] =	ssyncset.done $0x0  }
0x1e: {  	s31 =	simm.s32 $0x2800;
	[sflag:s12] =	ssyncadd.s32 $0xFFFFC000  }
0x1f: {  	[spmem:s2] =	stream.indirect.scatter.add.f32 [tilespmem:s15], [sflag:$0x1], $0x80, s31, s14, $0xb8;
	[tilespmem:$0x1D000] =	vst v63  }
0x20: {  	_ =	swait.ge [sflag:s12], $0x4000  }
0x21: {  	s18 =	simm.s32 $0x400;
	s17 =	simm.s32 $0x200;
	[sflag:s12] =	ssyncset.done $0x0  }
.LBB2_2:
0x22: {  	s19 =	sshra.s32 s17, $0x2  }
0x23: {  	[sflag:s12] =	ssyncadd.s32 $0xFFFFC000;
	s17 =	smov.u32 s18;
	s20 =	sadd.s32 $0x200, s18  }
0x24: {  	[tilespmem:s15], [sflag:$0x1] =	stream.indirect.gather [hbm4b:s4+s14], $0x80, s19, s14, $0xb8;
	[tilespmem:$0x1D000] =	vst v63  }
0x25: {  	p0 =	sne.s32 s18, $0x9E00;
	_ =	swait.ge [sflag:s12], $0x4000  }
.Ltmp0:
0x26: {  	[sflag:s12] =	ssyncset.done $0x0;
	(pc) =	sbr.rel @p0 .LBB2_2-.Ltmp0, $4  }
0x27: {  	s18 =	sadd.s32 $0x2800, s19;
	[sflag:s12] =	ssyncadd.s32 $0xFFFFC000  }
0x28: {  	[spmem:s2] =	stream.indirect.scatter.add.f32 [tilespmem:s15], [sflag:$0x1], $0x80, s18, s14, $0xb8;
	[tilespmem:$0x1D000] =	vst v63  }
0x29: {  	_ =	swait.ge [sflag:s12], $0x4000  }
0x2a: {  	s18 =	smov.u32 s20;
	[sflag:s12] =	ssyncset.done $0x0  }
0x2b: {  	s17 =	sshra.s32 s17, $0x2;
	[sflag:s12] =	ssyncadd.s32 $0xFFFFC000  }
0x2c: {  	[tilespmem:s15], [sflag:$0x1] =	stream.indirect.gather [hbm4b:s4+s14], $0x80, s17, s14, $0xb8;
	[tilespmem:$0x1D000] =	vst v63  }
0x2d: {  	_ =	swait.ge [sflag:s12], $0x4000  }
0x2e: {  	[sflag:s12] =	ssyncset.done $0x0  }
0x2f: {  	s17 =	sadd.s32 $0x2800, s17;
	[sflag:s12] =	ssyncadd.s32 $0xFFFFC000  }
0x30: {  	[spmem:s2] =	stream.indirect.scatter.add.f32 [tilespmem:s15], [sflag:$0x1], $0x80, s17, s14, $0xb8;
	[tilespmem:$0x1D000] =	vst v63  }
0x31: {  	_ =	swait.ge [sflag:s12], $0x4000  }
0x32: {  	s16 =	sadd.s32 $0x1, s16;
	[sflag:s12] =	ssyncset.done $0x0  }
0x33: {  	p0 =	sne.s32 s16, s10;
	[sflag:s12] =	ssyncadd.s32 $0xFFFFC000  }
.Ltmp1:
0x34: {  	[bflag:$0x0] =	sbarrier.arrive $0xFFFF;
	(pc) =	sbr.rel @p0 .LBB2_1-.Ltmp1, $4  }
0x35: {  	[hbm:s9], [sflag:s6] =	dma.local [spmem:s11], $0x2800  }
0x36: {  	_ =	swait.ge [sflag:s12], $0x2800  }
0x37: {  	[sflag:s12] =	ssyncset.done $0x0  }
0x38: {  	[sflag:s12] =	ssyncadd.s32 $0xFFFFD800  }
0x39: {  	_ =	sfence.sel $0x180000  }
0x3a: {  	[bflag:$0x0] =	sbarrier.arrive $0xFFFF  }
0x3b: {  	p0 =	sne.s32 s0, $0x0;
	_ =	strace $0x9000004A  }
0x3c: {  	s0 =	sadd.s32 @!p0 $0x100000, s1;
	[bflag:$0x2] =	sbarrier.arrive $0xFFFF  }
0x3d: {  	[sflag:s0] =	ssyncadd.tile.s32 @!p0 $0x1;
	_ =	shalt  }
.Lfunc_end2:
_tile_overlayer_lowered:
.L_overlay_start_2:
0x3e: {  	(tag) =	ssettag $0x2  }
0x3f: {  	s0 =	rddreg [dreg:$0x0];
	s2 =	stileid.u32  }
0x40: {  	s1 =	rddreg [dreg:$0x1];
	p0 =	sne.s32 s2, $0x0  }
0x41: {  	s3 =	rddreg [dreg:$0x2];
	[bflag:$0x3] =	sbarrier.arrive $0xFFFF;
	s2 =	simm.s32 @!p0 $0x1C01  }
0x42: {  	[timem:s3], [sflag:s2] =	dma.local @!p0 [hbm:s0], s1  }
0x43: {  	s0 =	simm.s32 @!p0 $0x1  }
0x44: {  	_ =	swait.ge @!p0 [sflag:s0], s1  }
0x45: {  	s1 =	ssub.s32 @!p0 $0x0, s1;
	[sflag:s0] =	ssyncset.done @!p0 $0x0  }
0x46: {  	[sflag:s0] =	ssyncadd.s32 @!p0 s1  }
0x47: {  	[bflag:$0x3] =	sbarrier.arrive $0xFFFF  }
0x48: {  	_ =	shalt  }

// kernel: kernel.14.cloned.1.call-start
scs
__scs_entry_jumppad:
0x0: {  	(pc) =	sbr.rel $0x88, $3  }
0x1: {  	(tag) =	ssettag $0x0;
	lr =	simm.s32 $0x1  }
0x2: {  	[smem:$0x3F99] =	sst lr;
	_ =	strace $0xD0000000  }
0x3: {  	_ = 	snop  }
0x4: {  	_ = 	snop  }
0x5: {  	_ = 	snop  }
0x6: {  	_ = 	snop  }
0x7: {  	_ = 	snop  }
__scs_overlays_trampoline_lowered:
0x8: {  	[smem:$0x3FA8] =	sst s0  }
0x9: {  	[smem:$0x3FA9] =	sst s1  }
0xa: {  	[smem:$0x3FAA] =	sst s2  }
0xb: {  	[smem:$0x3FAB] =	sst s3  }
0xc: {  	[smem:$0x3FAC] =	sst s4  }
0xd: {  	[smem:$0x3FAD] =	sst s5  }
0xe: {  	[smem:$0x3FAE] =	sst s6  }
0xf: {  	[smem:$0x3FAF] =	sst s7  }
0x10: {  	[smem:$0x3FB0] =	sst s8  }
0x11: {  	[smem:$0x3FB1] =	sst s9;
	s0 =	simm.s32 @!p0 $0x0  }
0x12: {  	s1 =	sld [smem:$0x3F97];
	s0 =	simm.s32 @p0 $0x1  }
0x13: {  	[smem:$0x3FB2] =	sst s0;
	s0 =	simm.s32 @!p1 $0x0  }
0x14: {  	s2 =	sld [smem:$0x3F96];
	s0 =	simm.s32 @p1 $0x1  }
0x15: {  	[smem:$0x3FB3] =	sst s0;
	s0 =	simm.s32 @!p2 $0x0  }
0x16: {  	s3 =	sld [smem:$0x3FDB];
	s0 =	simm.s32 @p2 $0x1  }
0x17: {  	s4 =	simm.s32 $0x1BF5;
	[smem:$0x3FB5] =	sst s0  }
0x18: {  	s0 =	sld [smem:$0x3F98];
	_ =	swait.ge [sflag:s4], $0x0  }
0x19: {  	s7 =	sld [smem:$0x3F99]  }
0x1a: {  	s8 =	sadd.s32 $0xFFFFE003, lr  }
0x1b: {  	s9 =	sadd.s32 $0xFFFFFEF7, lr;
	s5 =	simm.s32 $0xFFFFFFFF;
	p2 =	slt.u32 s8, $0xFFFFF086  }
0x1c: {  	p1 =	slt.u32 s9, $0xF7A;
	s5 =	simm.s32 @!p2 $0x0  }
0x1d: {  	s5 =	simm.s32 @p1 $0x1;
	p0 =	seq.s32 s7, s2  }
0x1e: {  	s7 =	smul.u32 @!p0 $0xF7A, s2;
	p2 =	seq.s32 @!p0 s5, $0x0  }
0x1f: {  	s9 =	smul.u32 $0xF7A, s1;
	s8 =	simm.s32 @!p0 $0x1BF5;
	p2 =	por !p2, p0  }
0x20: {  	[sflag:s8] =	ssyncset.s32 @!p0 $0xFFFFF086;
	s6 =	sadd.s32 @!p0 s3, s7;
	s7 =	simm.s32 @!p0 $0x108  }
0x21: {  	s3 =	sadd.s32 s3, s9;
	s6 =	sadd.s32 @!p0 $0x88, s6;
	s7 =	simm.s32 @p2 $0x1082  }
0x22: {  	[simem:s7], [sflag:s8] =	dma.local @!p0 [hbm:s6], $0xF7A  }
0x23: {  	s9 =	sor.u32 $0xD0000000, s2;
	s6 =	simm.s32 $0x108;
	_ =	swait.ge @!p0 [sflag:s8], $0x0  }
0x24: {  	s3 =	sadd.s32 $0x88, s3;
	s6 =	simm.s32 @!p1 $0x1082;
	[sflag:s4] =	ssyncset.s32 $0xFFFFF086  }
0x25: {  	[simem:s6], [sflag:s4] =	dma.local [hbm:s3], $0xF7A  }
0x26: {  	[smem:$0x3F99] =	sst s1;
	(tag) =	ssettag s2;
	_ =	strace s9  }
0x27: {  	s1 =	sld [smem:$0x3FA9]  }
0x28: {  	s2 =	sld [smem:$0x3FAA]  }
0x29: {  	s4 =	sld [smem:$0x3FAC]  }
0x2a: {  	p0 =	seq.s32 s5, $0x0;
	s5 =	sld [smem:$0x3FAD]  }
0x2b: {  	s6 =	sld [smem:$0x3FAE]  }
0x2c: {  	s7 =	sld [smem:$0x3FAF]  }
0x2d: {  	s3 =	simm.s32 $0x108;
	s8 =	sld [smem:$0x3FB0]  }
0x2e: {  	s3 =	simm.s32 @!p0 $0x1082;
	s9 =	sld [smem:$0x3FB1]  }
0x2f: {  	lr =	sadd.s32 s0, s3;
	s0 =	sld [smem:$0x3FA8]  }
0x30: {  	s3 =	sld [smem:$0x3FAB]  }
0x31: {  	[smem:$0x3FB4] =	sst s10  }
0x32: {  	s10 =	sld [smem:$0x3FB2];
	_ =	sdelay $0x3  }
0x33: {  	p0 =	seq.s32 s10, $0x1;
	s10 =	sld [smem:$0x3FB4];
	_ =	sdelay $0x3  }
0x34: {  	[smem:$0x3FB4] =	sst s10  }
0x35: {  	s10 =	sld [smem:$0x3FB3];
	_ =	sdelay $0x3  }
0x36: {  	p1 =	seq.s32 s10, $0x1;
	s10 =	sld [smem:$0x3FB4];
	_ =	sdelay $0x3  }
0x37: {  	[smem:$0x3FB4] =	sst s10  }
0x38: {  	s10 =	sld [smem:$0x3FB5]  }
0x39: {  	_ = 	snop;
	(pc) =	sbr.ind lr, $3  }
0x3a: {  	_ = 	snop  }
0x3b: {  	_ = 	snop  }
0x3c: {  	p2 =	seq.s32 s10, $0x1;
	s10 =	sld [smem:$0x3FB4]  }
0x3d: {  	_ =	shalt  }
0x3e: {  	_ =	shalt  }
0x3f: {  	_ =	shalt  }
0x40: {  	_ =	shalt  }
0x41: {  	_ =	shalt  }
0x42: {  	_ =	shalt  }
0x43: {  	_ =	shalt  }
0x44: {  	_ =	shalt  }
0x45: {  	_ =	shalt  }
0x46: {  	_ =	shalt  }
0x47: {  	_ =	shalt  }
0x48: {  	_ =	shalt  }
0x49: {  	_ =	shalt  }
0x4a: {  	_ =	shalt  }
0x4b: {  	_ =	shalt  }
0x4c: {  	_ =	shalt  }
0x4d: {  	_ =	shalt  }
0x4e: {  	_ =	shalt  }
0x4f: {  	_ =	shalt  }
0x50: {  	_ =	shalt  }
0x51: {  	_ =	shalt  }
0x52: {  	_ =	shalt  }
0x53: {  	_ =	shalt  }
0x54: {  	_ =	shalt  }
0x55: {  	_ =	shalt  }
0x56: {  	_ =	shalt  }
0x57: {  	_ =	shalt  }
0x58: {  	_ =	shalt  }
0x59: {  	_ =	shalt  }
0x5a: {  	_ =	shalt  }
0x5b: {  	_ =	shalt  }
0x5c: {  	_ =	shalt  }
0x5d: {  	_ =	shalt  }
0x5e: {  	_ =	shalt  }
0x5f: {  	_ =	shalt  }
0x60: {  	_ =	shalt  }
0x61: {  	_ =	shalt  }
0x62: {  	_ =	shalt  }
0x63: {  	_ =	shalt  }
0x64: {  	_ =	shalt  }
0x65: {  	_ =	shalt  }
0x66: {  	_ =	shalt  }
0x67: {  	_ =	shalt  }
0x68: {  	_ =	shalt  }
0x69: {  	_ =	shalt  }
0x6a: {  	_ =	shalt  }
0x6b: {  	_ =	shalt  }
0x6c: {  	_ =	shalt  }
0x6d: {  	_ =	shalt  }
0x6e: {  	_ =	shalt  }
0x6f: {  	_ =	shalt  }
0x70: {  	_ =	shalt  }
0x71: {  	_ =	shalt  }
0x72: {  	_ =	shalt  }
0x73: {  	_ =	shalt  }
0x74: {  	_ =	shalt  }
0x75: {  	_ =	shalt  }
0x76: {  	_ =	shalt  }
0x77: {  	_ =	shalt  }
0x78: {  	_ =	shalt  }
0x79: {  	_ =	shalt  }
0x7a: {  	_ =	shalt  }
0x7b: {  	_ =	shalt  }
0x7c: {  	_ =	shalt  }
0x7d: {  	_ =	shalt  }
0x7e: {  	_ =	shalt  }
0x7f: {  	_ =	shalt  }
0x80: {  	_ =	shalt  }
0x81: {  	_ =	shalt  }
0x82: {  	_ =	shalt  }
0x83: {  	_ =	shalt  }
0x84: {  	_ =	shalt  }
0x85: {  	_ =	shalt  }
0x86: {  	_ =	shalt  }
0x87: {  	_ =	shalt  }
.Lfunc_end0:
.L_simem_size_0:
called_computation.2_lowered:
.L_overlay_start_0:
0x88: {  	s2 =	sld [smem:$0x3FD9]  }
0x89: {  	s3 =	sld [smem:$0x3FFE];
	_ =	sdelay $0x1  }
0x8a: {  	s1 =	srdreg.scid  }
0x8b: {  	s0 =	sand.u32 $0x1, s1  }
0x8c: {  	s16 =	sshll.u32 s0, $0xA;
	s2 =	sadd.s32 s3, s2  }
0x8d: {  	s2 =	sadd.s32 s2, s16  }
0x8e: {  	[smem:$0x3FC0] =	sst s2  }
0x8f: {  	_ = 	snop  }
0x90: {  	(tm) =	ssettm $0x1  }
0x91: {  	s17 =	sld [smem:$0x3FFB];
	_ =	sdelay $0x3  }
0x92: {  	_ =	strace s17  }
0x93: {  	s2 =	sld [smem:$0x3FFC];
	_ =	sdelay $0x3  }
0x94: {  	_ =	strace s2  }
0x95: {  	s2 =	sld [smem:$0x3FFD];
	_ =	sdelay $0x3  }
0x96: {  	_ =	strace s2  }
0x97: {  	_ =	strace $0x8FFFFFFF  }
0x98: {  	s18 =	sld [smem:$0x3FDB];
	_ =	sdelay $0x1  }
0x99: {  	s19 =	simm.s32 $_scs_section_size  }
0x9a: {  	s4 =	simm.s32 $_size__tile_overlayer_lowered;
	s5 =	simm.s32 $_tile_overlayer_lowered  }
0x9b: {  	s22 =	simm.s32 $0x1BFF;
	s21 =	sshll.u32 s5, $0x1;
	s2 =	sadd.s32 s19, s18  }
0x9c: {  	s6 =	simm.s32 $0x0;
	s20 =	sshll.u32 s4, $0x1;
	s4 =	sadd.s32 s21, s2  }
0x9d: {  	[timem:s6], [sflag:s22] =	dma.local [hbm:s4], s20  }
0x9e: {  	_ =	swait.ge [sflag:s22], s20  }
0x9f: {  	s3 =	ssub.s32 $0x0, s20;
	[sflag:s22] =	ssyncset.done $0x0  }
0xa0: {  	[sflag:s22] =	ssyncadd.s32 s3;
	_ =	sdelay $0x1  }
0xa1: {  	s23 =	simm.s32 $0x1B8B  }
0xa2: {  	_ =	swait.ge [sflag:s23], $0x1  }
0xa3: {  	[sflag:s23] =	ssyncset.done $0x0  }
0xa4: {  	s25 =	simm.s32 $0x1B8E;
	s24 =	sld [smem:$0x3FFE];
	[sflag:s23] =	ssyncadd.s32 $0xFFFFFFFF  }
0xa5: {  	s26 =	simm.s32 $execute0_lowered;
	[smem:$0x3FD2] =	sst s25  }
0xa6: {  	s4 =	sshll.u32 s26, $0x1;
	_ =	strace $0x8000004C;
	[dreg:$0x1] =	wrdreg $0xFFFFFFFF  }
0xa7: {  	s28 =	simm.s32 $_size_execute0_lowered;
	s2 =	sadd.s32 s2, s4;
	[dreg:$0x0] =	wrdreg $0x0  }
0xa8: {  	s4 =	sshll.u32 s28, $0x1;
	[dreg:$0x2] =	wrdreg s2  }
0xa9: {  	[dreg:$0x3] =	wrdreg s4  }
0xaa: {  	[dreg:$0x4] =	wrdreg $0xC0  }
0xab: {  	_ =	task [dreg:s6], $0x5FFFF  }
0xac: {  	[dreg:$0x1] =	wrdreg $0xFFFFFFFF  }
0xad: {  	[dreg:$0x0] =	wrdreg $0x60  }
0xae: {  	[dreg:$0x2] =	wrdreg s24  }
0xaf: {  	[dreg:$0x3] =	wrdreg $0x90000  }
0xb0: {  	[dreg:$0x4] =	wrdreg $0x9  }
0xb1: {  	_ =	task.clear_ibuf [dreg:s6], $0x5FFFF;
	_ =	strace $0x9000004C  }
0xb2: {  	s29 =	simm.s32 $0x9;
	_ =	strace $0x8000004E  }
0xb3: {  	_ =	swait.ge [sflag:s29], $0x1  }
0xb4: {  	[sflag:s29] =	ssyncadd.s32 $0xFFFFFFFF  }
0xb5: {  	_ =	strace $0x9000004E  }
0xb6: {  	_ =	sfence  }
0xb7: {  	s30 =	sld [smem:$0x0];
	_ =	sdelay $0x2  }
0xb8: {  	s31 =	sshll.u32 s1, $0xD;
	s1 =	sshrl.u32 s1, $0x2  }
0xb9: {  	s3 =	sand.u32 $0x4000, s31;
	s1 =	sadd.s32 s1, s30  }
0xba: {  	s0 =	sor.u32 s3, s0;
	s1 =	sshll.u32 s1, $0x11  }
0xbb: {  	s0 =	sor.u32 s1, s0  }
0xbc: {  	s0 =	sadd.s32 $0x8F2B, s0  }
0xbd: {  	[sflag:s0] =	ssyncadd.remote.s32 $0x1  }
0xbe: {  	_ =	sfence.sel $0xFFFF  }
0xbf: {  	[dreg:$0x0] =	wrdreg $0xFFFFFFFF;
	(pc) =	sbr.abs _section_cstart, $3  }
0xc0: {  	[dreg:$0x1] =	wrdreg $0xFFFFFFFF  }
0xc1: {  	_ =	task.clear_ibuf [dreg:s6], $0x2FFFF;
	_ =	strace $0x9FFFFFFF  }
0xc2: {  	(tm) =	ssettm $0x7FFFFFFF  }
0xc3: {  	_ =	shalt  }
tec
execute0_lowered:
.L_overlay_start_1:
0x0: {  	(tag) =	ssettag $0x1  }
0x1: {  	s0 =	srdreg.scid;
	s6 =	rddreg [dreg:$0x0]  }
0x2: {  	s2 =	rddreg [dreg:$0x1];
	s3 =	simm.s32 $0x0;
	s14 =	simm.s32 $0x80  }
0x3: {  	s15 =	simm.s32 $0x5000;
	s5 =	sand.u32 $0x1, s0;
	s0 =	stileid.u32  }
0x4: {  	s16 =	simm.s32 $0x0;
	[smem:$0x7FF] =	sst s3;
	s8 =	smul.u32 $0x140000, s5  }
0x5: {  	s4 =	sadd.s32 $0xE800, s6;
	s1 =	sshll.u32 s5, $0x4;
	s9 =	smul.u32 $0x14000, s0  }
0x6: {  	s26 =	ssub.s32 $0x2, s5;
	s28 =	smul.u32 $0x50000, s0;
	s5 =	sadd.s32 $0xC000, s6  }
0x7: {  	s31 =	sshll.u32 s0, $0x6;
	s1 =	sor.u32 s0, s1;
	s29 =	sshrl.u32 s26, $0x1  }
0x8: {  	s7 =	smul.u32 $0x500, s1;
	s1 =	rddreg [dreg:$0x2];
	_ =	strace $0x8000004D  }
0x9: {  	s25 =	sadd.s32 s9, s8;
	s12 =	ssub.s32 s26, s29;
	s30 =	sshrl.u32 s28, $0x2  }
0xa: {  	s13 =	sadd.s32 s30, s2;
	s10 =	sadd.s32 s7, s6;
	s7 =	sshrl.u32 s25, $0x3  }
0xb: {  	s11 =	sadd.s32 s7, s6;
	s6 =	sor.u32 $0x1C01, s31;
	s7 =	sadd.s32 $0x5F000, s10  }
0xc: {  	s8 =	sadd.s32 $0x2000, s10;
	s10 =	smax.u32 s12, $0x1;
	s12 =	simm.s32 $0x1  }
0xd: {  	s9 =	sadd.s32 $0x69000, s11;
	s11 =	sshrl.u32 s13, $0x3;
	s13 =	simm.s32 $0x2800  }
.LBB2_1:
0xe: {  	[spmem:s11], [sflag:s6] =	dma.local [hbm:s5], $0x2800  }
0xf: {  	_ =	swait.ge [sflag:s12], $0x2800  }
0x10: {  	[sflag:s12] =	ssyncset.done $0x0  }
0x11: {  	[sflag:s12] =	ssyncadd.s32 $0xFFFFD800  }
0x12: {  	[tilespmem:s3], [sflag:$0x1] =	stream.linear.gather [hbm4b:s7+s3], $0x2800, $0x38;
	[tilespmem:$0x1D000] =	vst v63  }
0x13: {  	_ =	swait.ge [sflag:s12], $0x2800  }
0x14: {  	[sflag:s12] =	ssyncset.done $0x0  }
0x15: {  	[sflag:s12] =	ssyncadd.s32 $0xFFFFD800  }
0x16: {  	[tilespmem:s13], [sflag:$0x1] =	stream.linear.gather [hbm4b:s8+s3], $0x2800, $0x38;
	[tilespmem:$0x1D000] =	vst v63  }
0x17: {  	_ =	swait.ge [sflag:s12], $0x2800  }
0x18: {  	[sflag:s12] =	ssyncset.done $0x0  }
0x19: {  	[sflag:s12] =	ssyncadd.s32 $0xFFFFD800  }
0x1a: {  	s17 =	simm.s32 $0x0;
	[bflag:$0x0] =	sbarrier.arrive $0xFFFF  }
0x1b: {  	[tilespmem:s15], [sflag:$0x1] =	stream.indirect.gather [hbm4b:s4+s14], $0x80, s17, s14, $0xb8;
	[tilespmem:$0x1D000] =	vst v63  }
0x1c: {  	_ =	swait.ge [sflag:s12], $0x4000  }
0x1d: {  	[sflag:s12] =	ssyncset.done $0x0  }
0x1e: {  	s31 =	simm.s32 $0x2800;
	[sflag:s12] =	ssyncadd.s32 $0xFFFFC000  }
0x1f: {  	[spmem:s2] =	stream.indirect.scatter.add.f32 [tilespmem:s15], [sflag:$0x1], $0x80, s31, s14, $0xb8;
	[tilespmem:$0x1D000] =	vst v63  }
0x20: {  	_ =	swait.ge [sflag:s12], $0x4000  }
0x21: {  	s18 =	simm.s32 $0x400;
	s17 =	simm.s32 $0x200;
	[sflag:s12] =	ssyncset.done $0x0  }
.LBB2_2:
0x22: {  	s19 =	sshra.s32 s17, $0x2  }
0x23: {  	[sflag:s12] =	ssyncadd.s32 $0xFFFFC000;
	s17 =	smov.u32 s18;
	s20 =	sadd.s32 $0x200, s18  }
0x24: {  	[tilespmem:s15], [sflag:$0x1] =	stream.indirect.gather [hbm4b:s4+s14], $0x80, s19, s14, $0xb8;
	[tilespmem:$0x1D000] =	vst v63  }
0x25: {  	p0 =	sne.s32 s18, $0x9E00;
	_ =	swait.ge [sflag:s12], $0x4000  }
.Ltmp0:
0x26: {  	[sflag:s12] =	ssyncset.done $0x0;
	(pc) =	sbr.rel @p0 .LBB2_2-.Ltmp0, $4  }
0x27: {  	s18 =	sadd.s32 $0x2800, s19;
	[sflag:s12] =	ssyncadd.s32 $0xFFFFC000  }
0x28: {  	[spmem:s2] =	stream.indirect.scatter.add.f32 [tilespmem:s15], [sflag:$0x1], $0x80, s18, s14, $0xb8;
	[tilespmem:$0x1D000] =	vst v63  }
0x29: {  	_ =	swait.ge [sflag:s12], $0x4000  }
0x2a: {  	s18 =	smov.u32 s20;
	[sflag:s12] =	ssyncset.done $0x0  }
0x2b: {  	s17 =	sshra.s32 s17, $0x2;
	[sflag:s12] =	ssyncadd.s32 $0xFFFFC000  }
0x2c: {  	[tilespmem:s15], [sflag:$0x1] =	stream.indirect.gather [hbm4b:s4+s14], $0x80, s17, s14, $0xb8;
	[tilespmem:$0x1D000] =	vst v63  }
0x2d: {  	_ =	swait.ge [sflag:s12], $0x4000  }
0x2e: {  	[sflag:s12] =	ssyncset.done $0x0  }
0x2f: {  	s17 =	sadd.s32 $0x2800, s17;
	[sflag:s12] =	ssyncadd.s32 $0xFFFFC000  }
0x30: {  	[spmem:s2] =	stream.indirect.scatter.add.f32 [tilespmem:s15], [sflag:$0x1], $0x80, s17, s14, $0xb8;
	[tilespmem:$0x1D000] =	vst v63  }
0x31: {  	_ =	swait.ge [sflag:s12], $0x4000  }
0x32: {  	s16 =	sadd.s32 $0x1, s16;
	[sflag:s12] =	ssyncset.done $0x0  }
0x33: {  	p0 =	sne.s32 s16, s10;
	[sflag:s12] =	ssyncadd.s32 $0xFFFFC000  }
.Ltmp1:
0x34: {  	[bflag:$0x0] =	sbarrier.arrive $0xFFFF;
	(pc) =	sbr.rel @p0 .LBB2_1-.Ltmp1, $4  }
0x35: {  	[hbm:s9], [sflag:s6] =	dma.local [spmem:s11], $0x2800  }
0x36: {  	_ =	swait.ge [sflag:s12], $0x2800  }
0x37: {  	[sflag:s12] =	ssyncset.done $0x0  }
0x38: {  	[sflag:s12] =	ssyncadd.s32 $0xFFFFD800  }
0x39: {  	_ =	sfence.sel $0x180000  }
0x3a: {  	[bflag:$0x0] =	sbarrier.arrive $0xFFFF  }
0x3b: {  	p0 =	sne.s32 s0, $0x0;
	_ =	strace $0x9000004D  }
0x3c: {  	s0 =	sadd.s32 @!p0 $0x100000, s1;
	[bflag:$0x2] =	sbarrier.arrive $0xFFFF  }
0x3d: {  	[sflag:s0] =	ssyncadd.tile.s32 @!p0 $0x1;
	_ =	shalt  }
.Lfunc_end2:
_tile_overlayer_lowered:
.L_overlay_start_2:
0x3e: {  	(tag) =	ssettag $0x2  }
0x3f: {  	s0 =	rddreg [dreg:$0x0];
	s2 =	stileid.u32  }
0x40: {  	s1 =	rddreg [dreg:$0x1];
	p0 =	sne.s32 s2, $0x0  }
0x41: {  	s3 =	rddreg [dreg:$0x2];
	[bflag:$0x3] =	sbarrier.arrive $0xFFFF;
	s2 =	simm.s32 @!p0 $0x1C01  }
0x42: {  	[timem:s3], [sflag:s2] =	dma.local @!p0 [hbm:s0], s1  }
0x43: {  	s0 =	simm.s32 @!p0 $0x1  }
0x44: {  	_ =	swait.ge @!p0 [sflag:s0], s1  }
0x45: {  	s1 =	ssub.s32 @!p0 $0x0, s1;
	[sflag:s0] =	ssyncset.done @!p0 $0x0  }
0x46: {  	[sflag:s0] =	ssyncadd.s32 @!p0 s1  }
0x47: {  	[bflag:$0x3] =	sbarrier.arrive $0xFFFF  }
0x48: {  	_ =	shalt  }

// kernel: kernel.8.cloned.1.call-start
scs
__scs_entry_jumppad:
0x0: {  	(pc) =	sbr.rel $0x88, $3  }
0x1: {  	(tag) =	ssettag $0x0;
	lr =	simm.s32 $0x1  }
0x2: {  	[smem:$0x3F99] =	sst lr;
	_ =	strace $0xD0000000  }
0x3: {  	_ = 	snop  }
0x4: {  	_ = 	snop  }
0x5: {  	_ = 	snop  }
0x6: {  	_ = 	snop  }
0x7: {  	_ = 	snop  }
__scs_overlays_trampoline_lowered:
0x8: {  	[smem:$0x3FA8] =	sst s0  }
0x9: {  	[smem:$0x3FA9] =	sst s1  }
0xa: {  	[smem:$0x3FAA] =	sst s2  }
0xb: {  	[smem:$0x3FAB] =	sst s3  }
0xc: {  	[smem:$0x3FAC] =	sst s4  }
0xd: {  	[smem:$0x3FAD] =	sst s5  }
0xe: {  	[smem:$0x3FAE] =	sst s6  }
0xf: {  	[smem:$0x3FAF] =	sst s7  }
0x10: {  	[smem:$0x3FB0] =	sst s8  }
0x11: {  	[smem:$0x3FB1] =	sst s9;
	s0 =	simm.s32 @!p0 $0x0  }
0x12: {  	s1 =	sld [smem:$0x3F97];
	s0 =	simm.s32 @p0 $0x1  }
0x13: {  	[smem:$0x3FB2] =	sst s0;
	s0 =	simm.s32 @!p1 $0x0  }
0x14: {  	s2 =	sld [smem:$0x3F96];
	s0 =	simm.s32 @p1 $0x1  }
0x15: {  	[smem:$0x3FB3] =	sst s0;
	s0 =	simm.s32 @!p2 $0x0  }
0x16: {  	s3 =	sld [smem:$0x3FDB];
	s0 =	simm.s32 @p2 $0x1  }
0x17: {  	s4 =	simm.s32 $0x1BF5;
	[smem:$0x3FB5] =	sst s0  }
0x18: {  	s0 =	sld [smem:$0x3F98];
	_ =	swait.ge [sflag:s4], $0x0  }
0x19: {  	s7 =	sld [smem:$0x3F99]  }
0x1a: {  	s8 =	sadd.s32 $0xFFFFE003, lr  }
0x1b: {  	s9 =	sadd.s32 $0xFFFFFEF7, lr;
	s5 =	simm.s32 $0xFFFFFFFF;
	p2 =	slt.u32 s8, $0xFFFFF086  }
0x1c: {  	p1 =	slt.u32 s9, $0xF7A;
	s5 =	simm.s32 @!p2 $0x0  }
0x1d: {  	s5 =	simm.s32 @p1 $0x1;
	p0 =	seq.s32 s7, s2  }
0x1e: {  	s7 =	smul.u32 @!p0 $0xF7A, s2;
	p2 =	seq.s32 @!p0 s5, $0x0  }
0x1f: {  	s9 =	smul.u32 $0xF7A, s1;
	s8 =	simm.s32 @!p0 $0x1BF5;
	p2 =	por !p2, p0  }
0x20: {  	[sflag:s8] =	ssyncset.s32 @!p0 $0xFFFFF086;
	s6 =	sadd.s32 @!p0 s3, s7;
	s7 =	simm.s32 @!p0 $0x108  }
0x21: {  	s3 =	sadd.s32 s3, s9;
	s6 =	sadd.s32 @!p0 $0x88, s6;
	s7 =	simm.s32 @p2 $0x1082  }
0x22: {  	[simem:s7], [sflag:s8] =	dma.local @!p0 [hbm:s6], $0xF7A  }
0x23: {  	s9 =	sor.u32 $0xD0000000, s2;
	s6 =	simm.s32 $0x108;
	_ =	swait.ge @!p0 [sflag:s8], $0x0  }
0x24: {  	s3 =	sadd.s32 $0x88, s3;
	s6 =	simm.s32 @!p1 $0x1082;
	[sflag:s4] =	ssyncset.s32 $0xFFFFF086  }
0x25: {  	[simem:s6], [sflag:s4] =	dma.local [hbm:s3], $0xF7A  }
0x26: {  	[smem:$0x3F99] =	sst s1;
	(tag) =	ssettag s2;
	_ =	strace s9  }
0x27: {  	s1 =	sld [smem:$0x3FA9]  }
0x28: {  	s2 =	sld [smem:$0x3FAA]  }
0x29: {  	s4 =	sld [smem:$0x3FAC]  }
0x2a: {  	p0 =	seq.s32 s5, $0x0;
	s5 =	sld [smem:$0x3FAD]  }
0x2b: {  	s6 =	sld [smem:$0x3FAE]  }
0x2c: {  	s7 =	sld [smem:$0x3FAF]  }
0x2d: {  	s3 =	simm.s32 $0x108;
	s8 =	sld [smem:$0x3FB0]  }
0x2e: {  	s3 =	simm.s32 @!p0 $0x1082;
	s9 =	sld [smem:$0x3FB1]  }
0x2f: {  	lr =	sadd.s32 s0, s3;
	s0 =	sld [smem:$0x3FA8]  }
0x30: {  	s3 =	sld [smem:$0x3FAB]  }
0x31: {  	[smem:$0x3FB4] =	sst s10  }
0x32: {  	s10 =	sld [smem:$0x3FB2];
	_ =	sdelay $0x3  }
0x33: {  	p0 =	seq.s32 s10, $0x1;
	s10 =	sld [smem:$0x3FB4];
	_ =	sdelay $0x3  }
0x34: {  	[smem:$0x3FB4] =	sst s10  }
0x35: {  	s10 =	sld [smem:$0x3FB3];
	_ =	sdelay $0x3  }
0x36: {  	p1 =	seq.s32 s10, $0x1;
	s10 =	sld [smem:$0x3FB4];
	_ =	sdelay $0x3  }
0x37: {  	[smem:$0x3FB4] =	sst s10  }
0x38: {  	s10 =	sld [smem:$0x3FB5]  }
0x39: {  	_ = 	snop;
	(pc) =	sbr.ind lr, $3  }
0x3a: {  	_ = 	snop  }
0x3b: {  	_ = 	snop  }
0x3c: {  	p2 =	seq.s32 s10, $0x1;
	s10 =	sld [smem:$0x3FB4]  }
0x3d: {  	_ =	shalt  }
0x3e: {  	_ =	shalt  }
0x3f: {  	_ =	shalt  }
0x40: {  	_ =	shalt  }
0x41: {  	_ =	shalt  }
0x42: {  	_ =	shalt  }
0x43: {  	_ =	shalt  }
0x44: {  	_ =	shalt  }
0x45: {  	_ =	shalt  }
0x46: {  	_ =	shalt  }
0x47: {  	_ =	shalt  }
0x48: {  	_ =	shalt  }
0x49: {  	_ =	shalt  }
0x4a: {  	_ =	shalt  }
0x4b: {  	_ =	shalt  }
0x4c: {  	_ =	shalt  }
0x4d: {  	_ =	shalt  }
0x4e: {  	_ =	shalt  }
0x4f: {  	_ =	shalt  }
0x50: {  	_ =	shalt  }
0x51: {  	_ =	shalt  }
0x52: {  	_ =	shalt  }
0x53: {  	_ =	shalt  }
0x54: {  	_ =	shalt  }
0x55: {  	_ =	shalt  }
0x56: {  	_ =	shalt  }
0x57: {  	_ =	shalt  }
0x58: {  	_ =	shalt  }
0x59: {  	_ =	shalt  }
0x5a: {  	_ =	shalt  }
0x5b: {  	_ =	shalt  }
0x5c: {  	_ =	shalt  }
0x5d: {  	_ =	shalt  }
0x5e: {  	_ =	shalt  }
0x5f: {  	_ =	shalt  }
0x60: {  	_ =	shalt  }
0x61: {  	_ =	shalt  }
0x62: {  	_ =	shalt  }
0x63: {  	_ =	shalt  }
0x64: {  	_ =	shalt  }
0x65: {  	_ =	shalt  }
0x66: {  	_ =	shalt  }
0x67: {  	_ =	shalt  }
0x68: {  	_ =	shalt  }
0x69: {  	_ =	shalt  }
0x6a: {  	_ =	shalt  }
0x6b: {  	_ =	shalt  }
0x6c: {  	_ =	shalt  }
0x6d: {  	_ =	shalt  }
0x6e: {  	_ =	shalt  }
0x6f: {  	_ =	shalt  }
0x70: {  	_ =	shalt  }
0x71: {  	_ =	shalt  }
0x72: {  	_ =	shalt  }
0x73: {  	_ =	shalt  }
0x74: {  	_ =	shalt  }
0x75: {  	_ =	shalt  }
0x76: {  	_ =	shalt  }
0x77: {  	_ =	shalt  }
0x78: {  	_ =	shalt  }
0x79: {  	_ =	shalt  }
0x7a: {  	_ =	shalt  }
0x7b: {  	_ =	shalt  }
0x7c: {  	_ =	shalt  }
0x7d: {  	_ =	shalt  }
0x7e: {  	_ =	shalt  }
0x7f: {  	_ =	shalt  }
0x80: {  	_ =	shalt  }
0x81: {  	_ =	shalt  }
0x82: {  	_ =	shalt  }
0x83: {  	_ =	shalt  }
0x84: {  	_ =	shalt  }
0x85: {  	_ =	shalt  }
0x86: {  	_ =	shalt  }
0x87: {  	_ =	shalt  }
.Lfunc_end0:
.L_simem_size_0:
called_computation_lowered:
.L_overlay_start_0:
0x88: {  	s2 =	sld [smem:$0x3FD9]  }
0x89: {  	s3 =	sld [smem:$0x3FFE];
	_ =	sdelay $0x1  }
0x8a: {  	s1 =	srdreg.scid  }
0x8b: {  	s0 =	sand.u32 $0x1, s1  }
0x8c: {  	s16 =	sshll.u32 s0, $0xA;
	s2 =	sadd.s32 s3, s2  }
0x8d: {  	s2 =	sadd.s32 s2, s16  }
0x8e: {  	[smem:$0x3FC0] =	sst s2  }
0x8f: {  	_ = 	snop  }
0x90: {  	(tm) =	ssettm $0x1  }
0x91: {  	s17 =	sld [smem:$0x3FFB];
	_ =	sdelay $0x3  }
0x92: {  	_ =	strace s17  }
0x93: {  	s2 =	sld [smem:$0x3FFC];
	_ =	sdelay $0x3  }
0x94: {  	_ =	strace s2  }
0x95: {  	s2 =	sld [smem:$0x3FFD];
	_ =	sdelay $0x3  }
0x96: {  	_ =	strace s2  }
0x97: {  	_ =	strace $0x8FFFFFFF  }
0x98: {  	s18 =	sld [smem:$0x3FDB];
	_ =	sdelay $0x1  }
0x99: {  	s19 =	simm.s32 $_scs_section_size  }
0x9a: {  	s4 =	simm.s32 $_size__tile_overlayer_lowered;
	s5 =	simm.s32 $_tile_overlayer_lowered  }
0x9b: {  	s22 =	simm.s32 $0x1BFF;
	s21 =	sshll.u32 s5, $0x1;
	s2 =	sadd.s32 s19, s18  }
0x9c: {  	s6 =	simm.s32 $0x0;
	s20 =	sshll.u32 s4, $0x1;
	s4 =	sadd.s32 s21, s2  }
0x9d: {  	[timem:s6], [sflag:s22] =	dma.local [hbm:s4], s20  }
0x9e: {  	_ =	swait.ge [sflag:s22], s20  }
0x9f: {  	s3 =	ssub.s32 $0x0, s20;
	[sflag:s22] =	ssyncset.done $0x0  }
0xa0: {  	[sflag:s22] =	ssyncadd.s32 s3;
	_ =	sdelay $0x1  }
0xa1: {  	s23 =	simm.s32 $0x1B8B  }
0xa2: {  	_ =	swait.ge [sflag:s23], $0x1  }
0xa3: {  	[sflag:s23] =	ssyncset.done $0x0  }
0xa4: {  	s25 =	simm.s32 $0x1B8E;
	s24 =	sld [smem:$0x3FFE];
	[sflag:s23] =	ssyncadd.s32 $0xFFFFFFFF  }
0xa5: {  	s26 =	simm.s32 $execute0_lowered;
	[smem:$0x3FD2] =	sst s25  }
0xa6: {  	s4 =	sshll.u32 s26, $0x1;
	_ =	strace $0x80000046;
	[dreg:$0x1] =	wrdreg $0xFFFFFFFF  }
0xa7: {  	s28 =	simm.s32 $_size_execute0_lowered;
	s2 =	sadd.s32 s2, s4;
	[dreg:$0x0] =	wrdreg $0x0  }
0xa8: {  	s4 =	sshll.u32 s28, $0x1;
	[dreg:$0x2] =	wrdreg s2  }
0xa9: {  	[dreg:$0x3] =	wrdreg s4  }
0xaa: {  	[dreg:$0x4] =	wrdreg $0xC0  }
0xab: {  	_ =	task [dreg:s6], $0x5FFFF  }
0xac: {  	[dreg:$0x1] =	wrdreg $0xFFFFFFFF  }
0xad: {  	[dreg:$0x0] =	wrdreg $0x60  }
0xae: {  	[dreg:$0x2] =	wrdreg s24  }
0xaf: {  	[dreg:$0x3] =	wrdreg $0x68000  }
0xb0: {  	[dreg:$0x4] =	wrdreg $0x9  }
0xb1: {  	_ =	task.clear_ibuf [dreg:s6], $0x5FFFF;
	_ =	strace $0x90000046  }
0xb2: {  	s29 =	simm.s32 $0x9;
	_ =	strace $0x80000048  }
0xb3: {  	_ =	swait.ge [sflag:s29], $0x1  }
0xb4: {  	[sflag:s29] =	ssyncadd.s32 $0xFFFFFFFF  }
0xb5: {  	_ =	strace $0x90000048  }
0xb6: {  	_ =	sfence  }
0xb7: {  	s30 =	sld [smem:$0x0];
	_ =	sdelay $0x2  }
0xb8: {  	s31 =	sshll.u32 s1, $0xD;
	s1 =	sshrl.u32 s1, $0x2  }
0xb9: {  	s3 =	sand.u32 $0x4000, s31;
	s1 =	sadd.s32 s1, s30  }
0xba: {  	s0 =	sor.u32 s3, s0;
	s1 =	sshll.u32 s1, $0x11  }
0xbb: {  	s0 =	sor.u32 s1, s0  }
0xbc: {  	s0 =	sadd.s32 $0x8F2B, s0  }
0xbd: {  	[sflag:s0] =	ssyncadd.remote.s32 $0x1  }
0xbe: {  	_ =	sfence.sel $0xFFFF  }
0xbf: {  	[dreg:$0x0] =	wrdreg $0xFFFFFFFF;
	(pc) =	sbr.abs _section_cstart, $3  }
0xc0: {  	[dreg:$0x1] =	wrdreg $0xFFFFFFFF  }
0xc1: {  	_ =	task.clear_ibuf [dreg:s6], $0x2FFFF;
	_ =	strace $0x9FFFFFFF  }
0xc2: {  	(tm) =	ssettm $0x7FFFFFFF  }
0xc3: {  	_ =	shalt  }
tec
execute0_lowered:
.L_overlay_start_1:
0x0: {  	(tag) =	ssettag $0x1  }
0x1: {  	s7 =	rddreg [dreg:$0x0]  }
0x2: {  	s0 =	srdreg.scid;
	s2 =	rddreg [dreg:$0x1]  }
0x3: {  	s3 =	simm.s32 $0x0;
	s12 =	simm.s32 $0x2800;
	s6 =	sand.u32 $0x1, s0  }
0x4: {  	s13 =	simm.s32 $0x80;
	s0 =	stileid.u32;
	s5 =	smul.u32 $0x140000, s6  }
0x5: {  	s14 =	simm.s32 $0x0;
	[smem:$0x7FF] =	sst s3;
	s8 =	smul.u32 $0x14000, s0  }
0x6: {  	s1 =	sshll.u32 s6, $0x4;
	s10 =	smul.u32 $0x50000, s0;
	s6 =	ssub.s32 $0x2, s6  }
0x7: {  	s31 =	sshll.u32 s0, $0x6;
	s1 =	sor.u32 s0, s1;
	s30 =	sshrl.u32 s6, $0x1  }
0x8: {  	s4 =	smul.u32 $0x500, s1;
	s1 =	rddreg [dreg:$0x2];
	_ =	strace $0x80000047  }
0x9: {  	s8 =	sadd.s32 s8, s5;
	s5 =	sadd.s32 $0xC000, s7;
	s10 =	sshrl.u32 s10, $0x2  }
0xa: {  	s11 =	ssub.s32 s6, s30;
	s6 =	sor.u32 $0x1C01, s31;
	s8 =	sshrl.u32 s8, $0x3  }
0xb: {  	s10 =	sadd.s32 s10, s2;
	s9 =	sadd.s32 s4, s7;
	s4 =	sadd.s32 $0xE800, s7  }
0xc: {  	s8 =	sadd.s32 s8, s7;
	s10 =	sshrl.u32 s10, $0x3;
	s7 =	sadd.s32 $0x2000, s9  }
0xd: {  	s8 =	sadd.s32 $0xF000, s8;
	s9 =	smax.u32 s11, $0x1;
	s11 =	simm.s32 $0x1  }
.LBB2_1:
0xe: {  	[spmem:s10], [sflag:s6] =	dma.local [hbm:s5], $0x2800  }
0xf: {  	_ =	swait.ge [sflag:s11], $0x2800  }
0x10: {  	[sflag:s11] =	ssyncset.done $0x0  }
0x11: {  	[sflag:s11] =	ssyncadd.s32 $0xFFFFD800  }
0x12: {  	[tilespmem:s12], [sflag:$0x1] =	stream.linear.gather [hbm4b:s4+s3], $0x4000, $0x38;
	[tilespmem:$0x1A800] =	vst v63  }
0x13: {  	_ =	swait.ge [sflag:s11], $0x4000  }
0x14: {  	[sflag:s11] =	ssyncset.done $0x0  }
0x15: {  	[sflag:s11] =	ssyncadd.s32 $0xFFFFC000  }
0x16: {  	[tilespmem:s3], [sflag:$0x1] =	stream.linear.gather [hbm4b:s7+s3], $0x2800, $0x38;
	[tilespmem:$0x1A800] =	vst v63  }
0x17: {  	_ =	swait.ge [sflag:s11], $0x2800  }
0x18: {  	[sflag:s11] =	ssyncset.done $0x0  }
0x19: {  	[sflag:s11] =	ssyncadd.s32 $0xFFFFD800  }
0x1a: {  	s15 =	simm.s32 $0x0;
	[bflag:$0x0] =	sbarrier.arrive $0xFFFF  }
0x1b: {  	[spmem:s2] =	stream.indirect.scatter.add.f32 [tilespmem:s12], [sflag:$0x1], $0x80, s15, s13, $0xb8;
	[tilespmem:$0x1A800] =	vst v63  }
0x1c: {  	_ =	swait.ge [sflag:s11], $0x4000  }
0x1d: {  	s15 =	simm.s32 $0x200;
	[sflag:s11] =	ssyncset.done $0x0  }
.LBB2_2:
0x1e: {  	s16 =	sshra.s32 s15, $0x2;
	[sflag:s11] =	ssyncadd.s32 $0xFFFFC000;
	p0 =	sne.s32 s15, $0x9E00  }
0x1f: {  	[spmem:s2] =	stream.indirect.scatter.add.f32 [tilespmem:s12], [sflag:$0x1], $0x80, s16, s13, $0xb8;
	[tilespmem:$0x1A800] =	vst v63  }
.Ltmp0:
0x20: {  	_ = 	snop;
	(pc) =	sbr.rel @p0 .LBB2_2-.Ltmp0, $4  }
0x21: {  	_ = 	snop  }
0x22: {  	s15 =	sadd.s32 $0x200, s15  }
0x23: {  	_ =	swait.ge [sflag:s11], $0x4000  }
0x24: {  	[sflag:s11] =	ssyncset.done $0x0  }
0x25: {  	s14 =	sadd.s32 $0x1, s14  }
0x26: {  	[sflag:s11] =	ssyncadd.s32 $0xFFFFC000;
	p0 =	sne.s32 s14, s9  }
.Ltmp1:
0x27: {  	[bflag:$0x0] =	sbarrier.arrive $0xFFFF;
	(pc) =	sbr.rel @p0 .LBB2_1-.Ltmp1, $4  }
0x28: {  	[hbm:s8], [sflag:s6] =	dma.local [spmem:s10], $0x2800  }
0x29: {  	_ =	swait.ge [sflag:s11], $0x2800  }
0x2a: {  	[sflag:s11] =	ssyncset.done $0x0  }
0x2b: {  	[sflag:s11] =	ssyncadd.s32 $0xFFFFD800  }
0x2c: {  	_ =	sfence.sel $0x180000  }
0x2d: {  	[bflag:$0x0] =	sbarrier.arrive $0xFFFF  }
0x2e: {  	p0 =	sne.s32 s0, $0x0;
	_ =	strace $0x90000047  }
0x2f: {  	s0 =	sadd.s32 @!p0 $0x100000, s1;
	[bflag:$0x2] =	sbarrier.arrive $0xFFFF  }
0x30: {  	[sflag:s0] =	ssyncadd.tile.s32 @!p0 $0x1;
	_ =	shalt  }
.Lfunc_end2:
_tile_overlayer_lowered:
.L_overlay_start_2:
0x31: {  	(tag) =	ssettag $0x2  }
0x32: {  	s0 =	rddreg [dreg:$0x0];
	s2 =	stileid.u32  }
0x33: {  	s1 =	rddreg [dreg:$0x1];
	p0 =	sne.s32 s2, $0x0  }
0x34: {  	s3 =	rddreg [dreg:$0x2];
	[bflag:$0x3] =	sbarrier.arrive $0xFFFF;
	s2 =	simm.s32 @!p0 $0x1C01  }
0x35: {  	[timem:s3], [sflag:s2] =	dma.local @!p0 [hbm:s0], s1  }
0x36: {  	s0 =	simm.s32 @!p0 $0x1  }
0x37: {  	_ =	swait.ge @!p0 [sflag:s0], s1  }
0x38: {  	s1 =	ssub.s32 @!p0 $0x0, s1;
	[sflag:s0] =	ssyncset.done @!p0 $0x0  }
0x39: {  	[sflag:s0] =	ssyncadd.s32 @!p0 s1  }
0x3a: {  	[bflag:$0x3] =	sbarrier.arrive $0xFFFF  }
0x3b: {  	_ =	shalt  }

</sc_bundles>
